<compile_context>
chip_gen: v7x
topology: tpu7x:2x2x1
jax: 0.10.2.dev20260603
libtpu: 0.0.44.dev20260713+nightly
codegen_flags: <defaults>
</compile_context>

<pallas_src>
import functools

import jax
import jax.numpy as jnp
from jax import lax
from jax.experimental import pallas as pl
from jax.experimental.pallas import tpu as pltpu
from jax.experimental.pallas import tpu_sc as plsc

EMB = 64
SCALE = 8.0

_info = plsc.get_sparse_core_info()
_NC = _info.num_cores
_NS = _info.num_subcores
_NW = _NC * _NS

_C = 128
_NBUF = 4
_LOOK = 3


@functools.lru_cache(maxsize=None)
def _make_gather(n_cols: int, n_rows: int, emb: int):
    assert n_rows == _NW * _C
    mesh = plsc.VectorSubcoreMesh(core_axis_name="c", subcore_axis_name="s")

    @functools.partial(
        pl.kernel,
        out_type=jax.ShapeDtypeStruct((n_cols, emb, n_rows), jnp.float32),
        mesh=mesh,
        compiler_params=pltpu.CompilerParams(needs_layout_passes=False),
        scratch_types=(
            [pltpu.VMEM((n_cols, _C), jnp.int32)]
            + [pltpu.VMEM((_NBUF, _C), jnp.int32)]
            + [pltpu.VMEM((_C, 2 * emb), jnp.float32) for _ in range(_NBUF)]
            + [pltpu.VMEM((emb, _C), jnp.float32) for _ in range(_NBUF)]
            + [pltpu.SemaphoreType.DMA for _ in range(2 * _NBUF)]
        ),
    )
    def lookup(tok_hbm, pair_hbm, out_hbm, idx_v, pidx_v, *rest):
        inb = rest[:_NBUF]
        outb = rest[_NBUF:2 * _NBUF]
        gsem = rest[2 * _NBUF:3 * _NBUF]
        osem = rest[3 * _NBUF:4 * _NBUF]
        wid = lax.axis_index("c") * _NS + lax.axis_index("s")
        lanes = lax.broadcasted_iota(jnp.int32, (16,), 0)

        col0 = pl.multiple_of(wid * _C, _C)
        pltpu.sync_copy(tok_hbm.at[:, pl.ds(col0, _C)], idx_v)

        def start_gather(j, b):
            for m in range(_C // 16):
                sl = pl.ds(m * 16, 16)
                pidx_v[b, sl] = lax.shift_right_logical(idx_v[j, sl], 1)
            pltpu.async_copy(pair_hbm.at[pidx_v.at[b]], inb[b], gsem[b])

        def wait_gather(b):
            pltpu.make_async_copy(
                pair_hbm.at[pidx_v.at[b]], inb[b], gsem[b]
            ).wait()

        def out_dst(j):
            return out_hbm.at[j, :, pl.ds(col0, _C)]

        def transpose(j, b):
            @pl.loop(0, _C // 16)
            def _g(g):
                tok = idx_v[j, pl.ds(g * 16, 16)]
                rowv = g * 16 + lanes
                par = lax.shift_left(
                    lax.bitwise_and(tok, jnp.int32(1)), jnp.int32(6)
                )

                @plsc.parallel_loop(0, emb, unroll=8)
                def _c(c):
                    vals = plsc.load_gather(inb[b], [rowv, par + c])
                    outb[b][c, pl.ds(g * 16, 16)] = vals * SCALE

        for b in range(_LOOK):
            start_gather(b, b)

        @pl.loop(0, n_cols // _NBUF)
        def _outer(tt):
            for k in range(_NBUF):
                j = tt * _NBUF + k
                b = k

                wait_gather(b)

                @pl.when(j + _LOOK < n_cols)
                def _():
                    start_gather(j + _LOOK, (k + _LOOK) % _NBUF)

                @pl.when(j >= _NBUF)
                def _():
                    pltpu.make_async_copy(
                        outb[b], out_dst(j - _NBUF), osem[b]
                    ).wait()

                transpose(j, b)
                pltpu.async_copy(outb[b], out_dst(j), osem[b])

        for k in range(_NBUF):
            j = n_cols - _NBUF + k
            pltpu.make_async_copy(outb[k], out_dst(j), osem[k]).wait()

    return lookup


def kernel(tokens, embedding_weight):
    n_rows, n_cols = tokens.shape
    tok_t = tokens.astype(jnp.int32).T
    pair_view = embedding_weight.reshape(-1, 2 * EMB)
    out_l = _make_gather(n_cols, n_rows, EMB)(tok_t, pair_view)
    return jnp.transpose(out_l, (2, 0, 1))

# --- scband reference (transcript-rebuilt; emitter-appended) ---
"""Pipeline reference for scband-token-embedding-52613349376025 (READ-ONLY COPY).

The authoritative reference and input builder live on the scoring server;
editing this copy changes nothing except your own understanding.
"""

import jax, jax.numpy as jnp
import numpy as np
from math import sqrt as math_sqrt

VOCAB_SIZE = 1000000
EMB_SIZE = 64

def setup_inputs(seed: int = 0) -> dict:
    key = jax.random.key(seed)
    k_tok, k_emb = jax.random.split(key)
    tokens = jax.random.randint(k_tok, (4096, 200), 0, VOCAB_SIZE, dtype=jnp.int64 if jax.config.jax_enable_x64 else jnp.int32)
    # Embedding weight initialized like torch.nn.Embedding: N(0, 1)
    embedding_weight = jax.random.normal(k_emb, (VOCAB_SIZE, EMB_SIZE), dtype=jnp.float32)
    return {"tokens": tokens, "embedding_weight": embedding_weight}

def reference(tokens, embedding_weight):
    sqrt_emb_size = jnp.float32(math_sqrt(float(EMB_SIZE)))
    # gather: embedding lookup
    emb = jnp.take(embedding_weight, tokens, axis=0)
    return emb * sqrt_emb_size

if __name__ == "__main__":
    import jax
    _d = setup_inputs()
    print(jax.jit(kernel)(*tuple(_d.values())))

</pallas_src>

<mosaic_0001>
#map = affine_map<(d0, d1) -> (0, 0)>
#map1 = affine_map<(d0, d1) -> (0, 0, 0)>
module attributes {stable_mosaic.version = 14 : i64} {
  func.func @lookup(%arg0: i32, %arg1: i32, %arg2: memref<200x4096xi32, #tpu.memory_space<hbm>>, %arg3: memref<500000x128xf32, #tpu.memory_space<hbm>>, %arg4: memref<200x64x4096xf32, #tpu.memory_space<hbm>>, %arg5: memref<200x128xi32, #tpu.memory_space<vmem>>, %arg6: memref<4x128xi32, #tpu.memory_space<vmem>>, %arg7: memref<128x128xf32, #tpu.memory_space<vmem>>, %arg8: memref<128x128xf32, #tpu.memory_space<vmem>>, %arg9: memref<128x128xf32, #tpu.memory_space<vmem>>, %arg10: memref<128x128xf32, #tpu.memory_space<vmem>>, %arg11: memref<64x128xf32, #tpu.memory_space<vmem>>, %arg12: memref<64x128xf32, #tpu.memory_space<vmem>>, %arg13: memref<64x128xf32, #tpu.memory_space<vmem>>, %arg14: memref<64x128xf32, #tpu.memory_space<vmem>>, %arg15: memref<!tpu.dma_semaphore, #tpu.memory_space<semaphore_mem>>, %arg16: memref<!tpu.dma_semaphore, #tpu.memory_space<semaphore_mem>>, %arg17: memref<!tpu.dma_semaphore, #tpu.memory_space<semaphore_mem>>, %arg18: memref<!tpu.dma_semaphore, #tpu.memory_space<semaphore_mem>>, %arg19: memref<!tpu.dma_semaphore, #tpu.memory_space<semaphore_mem>>, %arg20: memref<!tpu.dma_semaphore, #tpu.memory_space<semaphore_mem>>, %arg21: memref<!tpu.dma_semaphore, #tpu.memory_space<semaphore_mem>>, %arg22: memref<!tpu.dma_semaphore, #tpu.memory_space<semaphore_mem>>) attributes {dimension_semantics = [#tpu.dimension_semantics<core_parallel>, #tpu.dimension_semantics<subcore_parallel>], iteration_bounds = array<i64: 2, 16>, scalar_prefetch = 0 : i64, scratch_operands = 18 : i64, tpu.core_type = #tpu.core_type<sc_vector_subcore>, window_params = [{transform_indices = #map}, {transform_indices = #map}, {transform_indices = #map1}]} {
    %mul3A = arith.constant 16 : i32
    %mul3A_0 = arith.muli %arg0, %mul3A : i32
    %add3A = arith.addi %mul3A_0, %arg1 : i32
    %iota3A = tpu.iota {dimensions = array<i32: 0>} : vector<16xi32>
    %mul3A_1 = arith.constant 128 : i32
    %mul3A_2 = arith.muli %add3A, %mul3A_1 : i32
    %multiple_of3A = tpu.assume_multiple %mul3A_2, 128 : i32
    "tpu.region"() ({
      %run_scoped3A = tpu.sem_alloc : memref<!tpu.dma_semaphore, #tpu.memory_space<semaphore_mem>>
      %dma_start3A_315 = arith.constant 0 : i32
      %dma_start3A_316 = tpu.memref_slice %arg2[%dma_start3A_315, %multiple_of3A] : memref<200x4096xi32, #tpu.memory_space<hbm>> -> memref<200x128xi32, #tpu.memory_space<hbm>>
      %dma_start3A_317 = arith.constant 0 : i32
      %dma_start3A_318 = tpu.memref_slice %arg2[%dma_start3A_317, %multiple_of3A] : memref<200x4096xi32, #tpu.memory_space<hbm>> -> memref<200x128xi32, #tpu.memory_space<hbm>>
      tpu.enqueue_dma source(%dma_start3A_318 : memref<200x128xi32, #tpu.memory_space<hbm>>) target(%arg5 : memref<200x128xi32, #tpu.memory_space<vmem>>) target_semaphore(%run_scoped3A : memref<!tpu.dma_semaphore, #tpu.memory_space<semaphore_mem>>)
      %dma_wait3A_319 = arith.constant 0 : i32
      %dma_wait3A_320 = tpu.memref_slice %arg2[%dma_wait3A_319, %multiple_of3A] : memref<200x4096xi32, #tpu.memory_space<hbm>> -> memref<200x128xi32, #tpu.memory_space<hbm>>
      %dma_wait3A_321 = arith.constant 0 : i32
      %dma_wait3A_322 = tpu.memref_slice %arg2[%dma_wait3A_321, %multiple_of3A] : memref<200x4096xi32, #tpu.memory_space<hbm>> -> memref<200x128xi32, #tpu.memory_space<hbm>>
      tpu.wait_dma2 semaphore(%run_scoped3A : memref<!tpu.dma_semaphore, #tpu.memory_space<semaphore_mem>>) src(%dma_wait3A_322 : memref<200x128xi32, #tpu.memory_space<hbm>>) dst(%arg5 : memref<200x128xi32, #tpu.memory_space<vmem>>)
      tpu.yield
    }) : () -> ()
    %get3A = arith.constant 0 : i32
    %get3A_3 = arith.index_cast %get3A : i32 to index
    %get3A_4 = arith.constant 0 : index
    %get3A_5 = tpu.vector_load %arg5[%get3A_3, %get3A_4] {strides = array<i32>} : memref<200x128xi32, #tpu.memory_space<vmem>>, vector<16xi32>,
    %shift_right_logical3A = arith.constant 1 : i32
    %shift_right_logical3A_6 = vector.broadcast %shift_right_logical3A : i32 to vector<16xi32>
    %shift_right_logical3A_7 = arith.shrui %get3A_5, %shift_right_logical3A_6 : vector<16xi32>
    %swap3A = arith.constant 0 : i32
    %swap3A_8 = arith.index_cast %swap3A : i32 to index
    %swap3A_9 = arith.constant 0 : index
    %swap3A_10 = tpu.vector_load %arg6[%swap3A_8, %swap3A_9] {strides = array<i32>} : memref<4x128xi32, #tpu.memory_space<vmem>>, vector<16xi32>,
    tpu.vector_store %arg6[%swap3A_8, %swap3A_9], %shift_right_logical3A_7 {strides = array<i32>} : memref<4x128xi32, #tpu.memory_space<vmem>>, vector<16xi32>,
    %get3A_11 = arith.constant 0 : i32
    %get3A_12 = arith.index_cast %get3A_11 : i32 to index
    %get3A_13 = arith.constant 16 : index
    %get3A_14 = tpu.vector_load %arg5[%get3A_12, %get3A_13] {strides = array<i32>} : memref<200x128xi32, #tpu.memory_space<vmem>>, vector<16xi32>,
    %shift_right_logical3A_15 = arith.constant 1 : i32
    %shift_right_logical3A_16 = vector.broadcast %shift_right_logical3A_15 : i32 to vector<16xi32>
    %shift_right_logical3A_17 = arith.shrui %get3A_14, %shift_right_logical3A_16 : vector<16xi32>
    %swap3A_18 = arith.constant 0 : i32
    %swap3A_19 = arith.index_cast %swap3A_18 : i32 to index
    %swap3A_20 = arith.constant 16 : index
    %swap3A_21 = tpu.vector_load %arg6[%swap3A_19, %swap3A_20] {strides = array<i32>} : memref<4x128xi32, #tpu.memory_space<vmem>>, vector<16xi32>,
    tpu.vector_store %arg6[%swap3A_19, %swap3A_20], %shift_right_logical3A_17 {strides = array<i32>} : memref<4x128xi32, #tpu.memory_space<vmem>>, vector<16xi32>,
    %get3A_22 = arith.constant 0 : i32
    %get3A_23 = arith.index_cast %get3A_22 : i32 to index
    %get3A_24 = arith.constant 32 : index
    %get3A_25 = tpu.vector_load %arg5[%get3A_23, %get3A_24] {strides = array<i32>} : memref<200x128xi32, #tpu.memory_space<vmem>>, vector<16xi32>,
    %shift_right_logical3A_26 = arith.constant 1 : i32
    %shift_right_logical3A_27 = vector.broadcast %shift_right_logical3A_26 : i32 to vector<16xi32>
    %shift_right_logical3A_28 = arith.shrui %get3A_25, %shift_right_logical3A_27 : vector<16xi32>
    %swap3A_29 = arith.constant 0 : i32
    %swap3A_30 = arith.index_cast %swap3A_29 : i32 to index
    %swap3A_31 = arith.constant 32 : index
    %swap3A_32 = tpu.vector_load %arg6[%swap3A_30, %swap3A_31] {strides = array<i32>} : memref<4x128xi32, #tpu.memory_space<vmem>>, vector<16xi32>,
    tpu.vector_store %arg6[%swap3A_30, %swap3A_31], %shift_right_logical3A_28 {strides = array<i32>} : memref<4x128xi32, #tpu.memory_space<vmem>>, vector<16xi32>,
    %get3A_33 = arith.constant 0 : i32
    %get3A_34 = arith.index_cast %get3A_33 : i32 to index
    %get3A_35 = arith.constant 48 : index
    %get3A_36 = tpu.vector_load %arg5[%get3A_34, %get3A_35] {strides = array<i32>} : memref<200x128xi32, #tpu.memory_space<vmem>>, vector<16xi32>,
    %shift_right_logical3A_37 = arith.constant 1 : i32
    %shift_right_logical3A_38 = vector.broadcast %shift_right_logical3A_37 : i32 to vector<16xi32>
    %shift_right_logical3A_39 = arith.shrui %get3A_36, %shift_right_logical3A_38 : vector<16xi32>
    %swap3A_40 = arith.constant 0 : i32
    %swap3A_41 = arith.index_cast %swap3A_40 : i32 to index
    %swap3A_42 = arith.constant 48 : index
    %swap3A_43 = tpu.vector_load %arg6[%swap3A_41, %swap3A_42] {strides = array<i32>} : memref<4x128xi32, #tpu.memory_space<vmem>>, vector<16xi32>,
    tpu.vector_store %arg6[%swap3A_41, %swap3A_42], %shift_right_logical3A_39 {strides = array<i32>} : memref<4x128xi32, #tpu.memory_space<vmem>>, vector<16xi32>,
    %get3A_44 = arith.constant 0 : i32
    %get3A_45 = arith.index_cast %get3A_44 : i32 to index
    %get3A_46 = arith.constant 64 : index
    %get3A_47 = tpu.vector_load %arg5[%get3A_45, %get3A_46] {strides = array<i32>} : memref<200x128xi32, #tpu.memory_space<vmem>>, vector<16xi32>,
    %shift_right_logical3A_48 = arith.constant 1 : i32
    %shift_right_logical3A_49 = vector.broadcast %shift_right_logical3A_48 : i32 to vector<16xi32>
    %shift_right_logical3A_50 = arith.shrui %get3A_47, %shift_right_logical3A_49 : vector<16xi32>
    %swap3A_51 = arith.constant 0 : i32
    %swap3A_52 = arith.index_cast %swap3A_51 : i32 to index
    %swap3A_53 = arith.constant 64 : index
    %swap3A_54 = tpu.vector_load %arg6[%swap3A_52, %swap3A_53] {strides = array<i32>} : memref<4x128xi32, #tpu.memory_space<vmem>>, vector<16xi32>,
    tpu.vector_store %arg6[%swap3A_52, %swap3A_53], %shift_right_logical3A_50 {strides = array<i32>} : memref<4x128xi32, #tpu.memory_space<vmem>>, vector<16xi32>,
    %get3A_55 = arith.constant 0 : i32
    %get3A_56 = arith.index_cast %get3A_55 : i32 to index
    %get3A_57 = arith.constant 80 : index
    %get3A_58 = tpu.vector_load %arg5[%get3A_56, %get3A_57] {strides = array<i32>} : memref<200x128xi32, #tpu.memory_space<vmem>>, vector<16xi32>,
    %shift_right_logical3A_59 = arith.constant 1 : i32
    %shift_right_logical3A_60 = vector.broadcast %shift_right_logical3A_59 : i32 to vector<16xi32>
    %shift_right_logical3A_61 = arith.shrui %get3A_58, %shift_right_logical3A_60 : vector<16xi32>
    %swap3A_62 = arith.constant 0 : i32
    %swap3A_63 = arith.index_cast %swap3A_62 : i32 to index
    %swap3A_64 = arith.constant 80 : index
    %swap3A_65 = tpu.vector_load %arg6[%swap3A_63, %swap3A_64] {strides = array<i32>} : memref<4x128xi32, #tpu.memory_space<vmem>>, vector<16xi32>,
    tpu.vector_store %arg6[%swap3A_63, %swap3A_64], %shift_right_logical3A_61 {strides = array<i32>} : memref<4x128xi32, #tpu.memory_space<vmem>>, vector<16xi32>,
    %get3A_66 = arith.constant 0 : i32
    %get3A_67 = arith.index_cast %get3A_66 : i32 to index
    %get3A_68 = arith.constant 96 : index
    %get3A_69 = tpu.vector_load %arg5[%get3A_67, %get3A_68] {strides = array<i32>} : memref<200x128xi32, #tpu.memory_space<vmem>>, vector<16xi32>,
    %shift_right_logical3A_70 = arith.constant 1 : i32
    %shift_right_logical3A_71 = vector.broadcast %shift_right_logical3A_70 : i32 to vector<16xi32>
    %shift_right_logical3A_72 = arith.shrui %get3A_69, %shift_right_logical3A_71 : vector<16xi32>
    %swap3A_73 = arith.constant 0 : i32
    %swap3A_74 = arith.index_cast %swap3A_73 : i32 to index
    %swap3A_75 = arith.constant 96 : index
    %swap3A_76 = tpu.vector_load %arg6[%swap3A_74, %swap3A_75] {strides = array<i32>} : memref<4x128xi32, #tpu.memory_space<vmem>>, vector<16xi32>,
    tpu.vector_store %arg6[%swap3A_74, %swap3A_75], %shift_right_logical3A_72 {strides = array<i32>} : memref<4x128xi32, #tpu.memory_space<vmem>>, vector<16xi32>,
    %get3A_77 = arith.constant 0 : i32
    %get3A_78 = arith.index_cast %get3A_77 : i32 to index
    %get3A_79 = arith.constant 112 : index
    %get3A_80 = tpu.vector_load %arg5[%get3A_78, %get3A_79] {strides = array<i32>} : memref<200x128xi32, #tpu.memory_space<vmem>>, vector<16xi32>,
    %shift_right_logical3A_81 = arith.constant 1 : i32
    %shift_right_logical3A_82 = vector.broadcast %shift_right_logical3A_81 : i32 to vector<16xi32>
    %shift_right_logical3A_83 = arith.shrui %get3A_80, %shift_right_logical3A_82 : vector<16xi32>
    %swap3A_84 = arith.constant 0 : i32
    %swap3A_85 = arith.index_cast %swap3A_84 : i32 to index
    %swap3A_86 = arith.constant 112 : index
    %swap3A_87 = tpu.vector_load %arg6[%swap3A_85, %swap3A_86] {strides = array<i32>} : memref<4x128xi32, #tpu.memory_space<vmem>>, vector<16xi32>,
    tpu.vector_store %arg6[%swap3A_85, %swap3A_86], %shift_right_logical3A_83 {strides = array<i32>} : memref<4x128xi32, #tpu.memory_space<vmem>>, vector<16xi32>,
    %dma_start3A = arith.constant 0 : i32
    %dma_start3A_88 = arith.constant 0 : i32
    %dma_start3A_89 = tpu.memref_slice %arg6[%dma_start3A, %dma_start3A_88] : memref<4x128xi32, #tpu.memory_space<vmem>> -> memref<1x128xi32, #tpu.memory_space<vmem>>
    %dma_start3A_90 = tpu.memref_squeeze %dma_start3A_89 : memref<1x128xi32, #tpu.memory_space<vmem>> -> memref<128xi32, #tpu.memory_space<vmem>>
    %dma_start3A_91 = arith.constant 0 : i32
    %dma_start3A_92 = arith.constant 0 : i32
    %dma_start3A_93 = tpu.memref_slice %arg3[%dma_start3A_91, %dma_start3A_92] : memref<500000x128xf32, #tpu.memory_space<hbm>> -> memref<500000x128xf32, #tpu.memory_space<hbm>>
    tpu.enqueue_indirect_dma source(%dma_start3A_93 : memref<500000x128xf32, #tpu.memory_space<hbm>>) target(%arg7 : memref<128x128xf32, #tpu.memory_space<vmem>>) offsets(%dma_start3A_90 : memref<128xi32, #tpu.memory_space<vmem>>) semaphore(%arg15 : memref<!tpu.dma_semaphore, #tpu.memory_space<semaphore_mem>>)
    %get3A_94 = arith.constant 1 : i32
    %get3A_95 = arith.index_cast %get3A_94 : i32 to index
    %get3A_96 = arith.constant 0 : index
    %get3A_97 = tpu.vector_load %arg5[%get3A_95, %get3A_96] {strides = array<i32>} : memref<200x128xi32, #tpu.memory_space<vmem>>, vector<16xi32>,
    %shift_right_logical3A_98 = arith.constant 1 : i32
    %shift_right_logical3A_99 = vector.broadcast %shift_right_logical3A_98 : i32 to vector<16xi32>
    %shift_right_logical3A_100 = arith.shrui %get3A_97, %shift_right_logical3A_99 : vector<16xi32>
    %swap3A_101 = arith.constant 1 : i32
    %swap3A_102 = arith.index_cast %swap3A_101 : i32 to index
    %swap3A_103 = arith.constant 0 : index
    %swap3A_104 = tpu.vector_load %arg6[%swap3A_102, %swap3A_103] {strides = array<i32>} : memref<4x128xi32, #tpu.memory_space<vmem>>, vector<16xi32>,
    tpu.vector_store %arg6[%swap3A_102, %swap3A_103], %shift_right_logical3A_100 {strides = array<i32>} : memref<4x128xi32, #tpu.memory_space<vmem>>, vector<16xi32>,
    %get3A_105 = arith.constant 1 : i32
    %get3A_106 = arith.index_cast %get3A_105 : i32 to index
    %get3A_107 = arith.constant 16 : index
    %get3A_108 = tpu.vector_load %arg5[%get3A_106, %get3A_107] {strides = array<i32>} : memref<200x128xi32, #tpu.memory_space<vmem>>, vector<16xi32>,
    %shift_right_logical3A_109 = arith.constant 1 : i32
    %shift_right_logical3A_110 = vector.broadcast %shift_right_logical3A_109 : i32 to vector<16xi32>
    %shift_right_logical3A_111 = arith.shrui %get3A_108, %shift_right_logical3A_110 : vector<16xi32>
    %swap3A_112 = arith.constant 1 : i32
    %swap3A_113 = arith.index_cast %swap3A_112 : i32 to index
    %swap3A_114 = arith.constant 16 : index
    %swap3A_115 = tpu.vector_load %arg6[%swap3A_113, %swap3A_114] {strides = array<i32>} : memref<4x128xi32, #tpu.memory_space<vmem>>, vector<16xi32>,
    tpu.vector_store %arg6[%swap3A_113, %swap3A_114], %shift_right_logical3A_111 {strides = array<i32>} : memref<4x128xi32, #tpu.memory_space<vmem>>, vector<16xi32>,
    %get3A_116 = arith.constant 1 : i32
    %get3A_117 = arith.index_cast %get3A_116 : i32 to index
    %get3A_118 = arith.constant 32 : index
    %get3A_119 = tpu.vector_load %arg5[%get3A_117, %get3A_118] {strides = array<i32>} : memref<200x128xi32, #tpu.memory_space<vmem>>, vector<16xi32>,
    %shift_right_logical3A_120 = arith.constant 1 : i32
    %shift_right_logical3A_121 = vector.broadcast %shift_right_logical3A_120 : i32 to vector<16xi32>
    %shift_right_logical3A_122 = arith.shrui %get3A_119, %shift_right_logical3A_121 : vector<16xi32>
    %swap3A_123 = arith.constant 1 : i32
    %swap3A_124 = arith.index_cast %swap3A_123 : i32 to index
    %swap3A_125 = arith.constant 32 : index
    %swap3A_126 = tpu.vector_load %arg6[%swap3A_124, %swap3A_125] {strides = array<i32>} : memref<4x128xi32, #tpu.memory_space<vmem>>, vector<16xi32>,
    tpu.vector_store %arg6[%swap3A_124, %swap3A_125], %shift_right_logical3A_122 {strides = array<i32>} : memref<4x128xi32, #tpu.memory_space<vmem>>, vector<16xi32>,
    %get3A_127 = arith.constant 1 : i32
    %get3A_128 = arith.index_cast %get3A_127 : i32 to index
    %get3A_129 = arith.constant 48 : index
    %get3A_130 = tpu.vector_load %arg5[%get3A_128, %get3A_129] {strides = array<i32>} : memref<200x128xi32, #tpu.memory_space<vmem>>, vector<16xi32>,
    %shift_right_logical3A_131 = arith.constant 1 : i32
    %shift_right_logical3A_132 = vector.broadcast %shift_right_logical3A_131 : i32 to vector<16xi32>
    %shift_right_logical3A_133 = arith.shrui %get3A_130, %shift_right_logical3A_132 : vector<16xi32>
    %swap3A_134 = arith.constant 1 : i32
    %swap3A_135 = arith.index_cast %swap3A_134 : i32 to index
    %swap3A_136 = arith.constant 48 : index
    %swap3A_137 = tpu.vector_load %arg6[%swap3A_135, %swap3A_136] {strides = array<i32>} : memref<4x128xi32, #tpu.memory_space<vmem>>, vector<16xi32>,
    tpu.vector_store %arg6[%swap3A_135, %swap3A_136], %shift_right_logical3A_133 {strides = array<i32>} : memref<4x128xi32, #tpu.memory_space<vmem>>, vector<16xi32>,
    %get3A_138 = arith.constant 1 : i32
    %get3A_139 = arith.index_cast %get3A_138 : i32 to index
    %get3A_140 = arith.constant 64 : index
    %get3A_141 = tpu.vector_load %arg5[%get3A_139, %get3A_140] {strides = array<i32>} : memref<200x128xi32, #tpu.memory_space<vmem>>, vector<16xi32>,
    %shift_right_logical3A_142 = arith.constant 1 : i32
    %shift_right_logical3A_143 = vector.broadcast %shift_right_logical3A_142 : i32 to vector<16xi32>
    %shift_right_logical3A_144 = arith.shrui %get3A_141, %shift_right_logical3A_143 : vector<16xi32>
    %swap3A_145 = arith.constant 1 : i32
    %swap3A_146 = arith.index_cast %swap3A_145 : i32 to index
    %swap3A_147 = arith.constant 64 : index
    %swap3A_148 = tpu.vector_load %arg6[%swap3A_146, %swap3A_147] {strides = array<i32>} : memref<4x128xi32, #tpu.memory_space<vmem>>, vector<16xi32>,
    tpu.vector_store %arg6[%swap3A_146, %swap3A_147], %shift_right_logical3A_144 {strides = array<i32>} : memref<4x128xi32, #tpu.memory_space<vmem>>, vector<16xi32>,
    %get3A_149 = arith.constant 1 : i32
    %get3A_150 = arith.index_cast %get3A_149 : i32 to index
    %get3A_151 = arith.constant 80 : index
    %get3A_152 = tpu.vector_load %arg5[%get3A_150, %get3A_151] {strides = array<i32>} : memref<200x128xi32, #tpu.memory_space<vmem>>, vector<16xi32>,
    %shift_right_logical3A_153 = arith.constant 1 : i32
    %shift_right_logical3A_154 = vector.broadcast %shift_right_logical3A_153 : i32 to vector<16xi32>
    %shift_right_logical3A_155 = arith.shrui %get3A_152, %shift_right_logical3A_154 : vector<16xi32>
    %swap3A_156 = arith.constant 1 : i32
    %swap3A_157 = arith.index_cast %swap3A_156 : i32 to index
    %swap3A_158 = arith.constant 80 : index
    %swap3A_159 = tpu.vector_load %arg6[%swap3A_157, %swap3A_158] {strides = array<i32>} : memref<4x128xi32, #tpu.memory_space<vmem>>, vector<16xi32>,
    tpu.vector_store %arg6[%swap3A_157, %swap3A_158], %shift_right_logical3A_155 {strides = array<i32>} : memref<4x128xi32, #tpu.memory_space<vmem>>, vector<16xi32>,
    %get3A_160 = arith.constant 1 : i32
    %get3A_161 = arith.index_cast %get3A_160 : i32 to index
    %get3A_162 = arith.constant 96 : index
    %get3A_163 = tpu.vector_load %arg5[%get3A_161, %get3A_162] {strides = array<i32>} : memref<200x128xi32, #tpu.memory_space<vmem>>, vector<16xi32>,
    %shift_right_logical3A_164 = arith.constant 1 : i32
    %shift_right_logical3A_165 = vector.broadcast %shift_right_logical3A_164 : i32 to vector<16xi32>
    %shift_right_logical3A_166 = arith.shrui %get3A_163, %shift_right_logical3A_165 : vector<16xi32>
    %swap3A_167 = arith.constant 1 : i32
    %swap3A_168 = arith.index_cast %swap3A_167 : i32 to index
    %swap3A_169 = arith.constant 96 : index
    %swap3A_170 = tpu.vector_load %arg6[%swap3A_168, %swap3A_169] {strides = array<i32>} : memref<4x128xi32, #tpu.memory_space<vmem>>, vector<16xi32>,
    tpu.vector_store %arg6[%swap3A_168, %swap3A_169], %shift_right_logical3A_166 {strides = array<i32>} : memref<4x128xi32, #tpu.memory_space<vmem>>, vector<16xi32>,
    %get3A_171 = arith.constant 1 : i32
    %get3A_172 = arith.index_cast %get3A_171 : i32 to index
    %get3A_173 = arith.constant 112 : index
    %get3A_174 = tpu.vector_load %arg5[%get3A_172, %get3A_173] {strides = array<i32>} : memref<200x128xi32, #tpu.memory_space<vmem>>, vector<16xi32>,
    %shift_right_logical3A_175 = arith.constant 1 : i32
    %shift_right_logical3A_176 = vector.broadcast %shift_right_logical3A_175 : i32 to vector<16xi32>
    %shift_right_logical3A_177 = arith.shrui %get3A_174, %shift_right_logical3A_176 : vector<16xi32>
    %swap3A_178 = arith.constant 1 : i32
    %swap3A_179 = arith.index_cast %swap3A_178 : i32 to index
    %swap3A_180 = arith.constant 112 : index
    %swap3A_181 = tpu.vector_load %arg6[%swap3A_179, %swap3A_180] {strides = array<i32>} : memref<4x128xi32, #tpu.memory_space<vmem>>, vector<16xi32>,
    tpu.vector_store %arg6[%swap3A_179, %swap3A_180], %shift_right_logical3A_177 {strides = array<i32>} : memref<4x128xi32, #tpu.memory_space<vmem>>, vector<16xi32>,
    %dma_start3A_182 = arith.constant 1 : i32
    %dma_start3A_183 = arith.constant 0 : i32
    %dma_start3A_184 = tpu.memref_slice %arg6[%dma_start3A_182, %dma_start3A_183] : memref<4x128xi32, #tpu.memory_space<vmem>> -> memref<1x128xi32, #tpu.memory_space<vmem>>
    %dma_start3A_185 = tpu.memref_squeeze %dma_start3A_184 : memref<1x128xi32, #tpu.memory_space<vmem>> -> memref<128xi32, #tpu.memory_space<vmem>>
    %dma_start3A_186 = arith.constant 0 : i32
    %dma_start3A_187 = arith.constant 0 : i32
    %dma_start3A_188 = tpu.memref_slice %arg3[%dma_start3A_186, %dma_start3A_187] : memref<500000x128xf32, #tpu.memory_space<hbm>> -> memref<500000x128xf32, #tpu.memory_space<hbm>>
    tpu.enqueue_indirect_dma source(%dma_start3A_188 : memref<500000x128xf32, #tpu.memory_space<hbm>>) target(%arg8 : memref<128x128xf32, #tpu.memory_space<vmem>>) offsets(%dma_start3A_185 : memref<128xi32, #tpu.memory_space<vmem>>) semaphore(%arg16 : memref<!tpu.dma_semaphore, #tpu.memory_space<semaphore_mem>>)
    %get3A_189 = arith.constant 2 : i32
    %get3A_190 = arith.index_cast %get3A_189 : i32 to index
    %get3A_191 = arith.constant 0 : index
    %get3A_192 = tpu.vector_load %arg5[%get3A_190, %get3A_191] {strides = array<i32>} : memref<200x128xi32, #tpu.memory_space<vmem>>, vector<16xi32>,
    %shift_right_logical3A_193 = arith.constant 1 : i32
    %shift_right_logical3A_194 = vector.broadcast %shift_right_logical3A_193 : i32 to vector<16xi32>
    %shift_right_logical3A_195 = arith.shrui %get3A_192, %shift_right_logical3A_194 : vector<16xi32>
    %swap3A_196 = arith.constant 2 : i32
    %swap3A_197 = arith.index_cast %swap3A_196 : i32 to index
    %swap3A_198 = arith.constant 0 : index
    %swap3A_199 = tpu.vector_load %arg6[%swap3A_197, %swap3A_198] {strides = array<i32>} : memref<4x128xi32, #tpu.memory_space<vmem>>, vector<16xi32>,
    tpu.vector_store %arg6[%swap3A_197, %swap3A_198], %shift_right_logical3A_195 {strides = array<i32>} : memref<4x128xi32, #tpu.memory_space<vmem>>, vector<16xi32>,
    %get3A_200 = arith.constant 2 : i32
    %get3A_201 = arith.index_cast %get3A_200 : i32 to index
    %get3A_202 = arith.constant 16 : index
    %get3A_203 = tpu.vector_load %arg5[%get3A_201, %get3A_202] {strides = array<i32>} : memref<200x128xi32, #tpu.memory_space<vmem>>, vector<16xi32>,
    %shift_right_logical3A_204 = arith.constant 1 : i32
    %shift_right_logical3A_205 = vector.broadcast %shift_right_logical3A_204 : i32 to vector<16xi32>
    %shift_right_logical3A_206 = arith.shrui %get3A_203, %shift_right_logical3A_205 : vector<16xi32>
    %swap3A_207 = arith.constant 2 : i32
    %swap3A_208 = arith.index_cast %swap3A_207 : i32 to index
    %swap3A_209 = arith.constant 16 : index
    %swap3A_210 = tpu.vector_load %arg6[%swap3A_208, %swap3A_209] {strides = array<i32>} : memref<4x128xi32, #tpu.memory_space<vmem>>, vector<16xi32>,
    tpu.vector_store %arg6[%swap3A_208, %swap3A_209], %shift_right_logical3A_206 {strides = array<i32>} : memref<4x128xi32, #tpu.memory_space<vmem>>, vector<16xi32>,
    %get3A_211 = arith.constant 2 : i32
    %get3A_212 = arith.index_cast %get3A_211 : i32 to index
    %get3A_213 = arith.constant 32 : index
    %get3A_214 = tpu.vector_load %arg5[%get3A_212, %get3A_213] {strides = array<i32>} : memref<200x128xi32, #tpu.memory_space<vmem>>, vector<16xi32>,
    %shift_right_logical3A_215 = arith.constant 1 : i32
    %shift_right_logical3A_216 = vector.broadcast %shift_right_logical3A_215 : i32 to vector<16xi32>
    %shift_right_logical3A_217 = arith.shrui %get3A_214, %shift_right_logical3A_216 : vector<16xi32>
    %swap3A_218 = arith.constant 2 : i32
    %swap3A_219 = arith.index_cast %swap3A_218 : i32 to index
    %swap3A_220 = arith.constant 32 : index
    %swap3A_221 = tpu.vector_load %arg6[%swap3A_219, %swap3A_220] {strides = array<i32>} : memref<4x128xi32, #tpu.memory_space<vmem>>, vector<16xi32>,
    tpu.vector_store %arg6[%swap3A_219, %swap3A_220], %shift_right_logical3A_217 {strides = array<i32>} : memref<4x128xi32, #tpu.memory_space<vmem>>, vector<16xi32>,
    %get3A_222 = arith.constant 2 : i32
    %get3A_223 = arith.index_cast %get3A_222 : i32 to index
    %get3A_224 = arith.constant 48 : index
    %get3A_225 = tpu.vector_load %arg5[%get3A_223, %get3A_224] {strides = array<i32>} : memref<200x128xi32, #tpu.memory_space<vmem>>, vector<16xi32>,
    %shift_right_logical3A_226 = arith.constant 1 : i32
    %shift_right_logical3A_227 = vector.broadcast %shift_right_logical3A_226 : i32 to vector<16xi32>
    %shift_right_logical3A_228 = arith.shrui %get3A_225, %shift_right_logical3A_227 : vector<16xi32>
    %swap3A_229 = arith.constant 2 : i32
    %swap3A_230 = arith.index_cast %swap3A_229 : i32 to index
    %swap3A_231 = arith.constant 48 : index
    %swap3A_232 = tpu.vector_load %arg6[%swap3A_230, %swap3A_231] {strides = array<i32>} : memref<4x128xi32, #tpu.memory_space<vmem>>, vector<16xi32>,
    tpu.vector_store %arg6[%swap3A_230, %swap3A_231], %shift_right_logical3A_228 {strides = array<i32>} : memref<4x128xi32, #tpu.memory_space<vmem>>, vector<16xi32>,
    %get3A_233 = arith.constant 2 : i32
    %get3A_234 = arith.index_cast %get3A_233 : i32 to index
    %get3A_235 = arith.constant 64 : index
    %get3A_236 = tpu.vector_load %arg5[%get3A_234, %get3A_235] {strides = array<i32>} : memref<200x128xi32, #tpu.memory_space<vmem>>, vector<16xi32>,
    %shift_right_logical3A_237 = arith.constant 1 : i32
    %shift_right_logical3A_238 = vector.broadcast %shift_right_logical3A_237 : i32 to vector<16xi32>
    %shift_right_logical3A_239 = arith.shrui %get3A_236, %shift_right_logical3A_238 : vector<16xi32>
    %swap3A_240 = arith.constant 2 : i32
    %swap3A_241 = arith.index_cast %swap3A_240 : i32 to index
    %swap3A_242 = arith.constant 64 : index
    %swap3A_243 = tpu.vector_load %arg6[%swap3A_241, %swap3A_242] {strides = array<i32>} : memref<4x128xi32, #tpu.memory_space<vmem>>, vector<16xi32>,
    tpu.vector_store %arg6[%swap3A_241, %swap3A_242], %shift_right_logical3A_239 {strides = array<i32>} : memref<4x128xi32, #tpu.memory_space<vmem>>, vector<16xi32>,
    %get3A_244 = arith.constant 2 : i32
    %get3A_245 = arith.index_cast %get3A_244 : i32 to index
    %get3A_246 = arith.constant 80 : index
    %get3A_247 = tpu.vector_load %arg5[%get3A_245, %get3A_246] {strides = array<i32>} : memref<200x128xi32, #tpu.memory_space<vmem>>, vector<16xi32>,
    %shift_right_logical3A_248 = arith.constant 1 : i32
    %shift_right_logical3A_249 = vector.broadcast %shift_right_logical3A_248 : i32 to vector<16xi32>
    %shift_right_logical3A_250 = arith.shrui %get3A_247, %shift_right_logical3A_249 : vector<16xi32>
    %swap3A_251 = arith.constant 2 : i32
    %swap3A_252 = arith.index_cast %swap3A_251 : i32 to index
    %swap3A_253 = arith.constant 80 : index
    %swap3A_254 = tpu.vector_load %arg6[%swap3A_252, %swap3A_253] {strides = array<i32>} : memref<4x128xi32, #tpu.memory_space<vmem>>, vector<16xi32>,
    tpu.vector_store %arg6[%swap3A_252, %swap3A_253], %shift_right_logical3A_250 {strides = array<i32>} : memref<4x128xi32, #tpu.memory_space<vmem>>, vector<16xi32>,
    %get3A_255 = arith.constant 2 : i32
    %get3A_256 = arith.index_cast %get3A_255 : i32 to index
    %get3A_257 = arith.constant 96 : index
    %get3A_258 = tpu.vector_load %arg5[%get3A_256, %get3A_257] {strides = array<i32>} : memref<200x128xi32, #tpu.memory_space<vmem>>, vector<16xi32>,
    %shift_right_logical3A_259 = arith.constant 1 : i32
    %shift_right_logical3A_260 = vector.broadcast %shift_right_logical3A_259 : i32 to vector<16xi32>
    %shift_right_logical3A_261 = arith.shrui %get3A_258, %shift_right_logical3A_260 : vector<16xi32>
    %swap3A_262 = arith.constant 2 : i32
    %swap3A_263 = arith.index_cast %swap3A_262 : i32 to index
    %swap3A_264 = arith.constant 96 : index
    %swap3A_265 = tpu.vector_load %arg6[%swap3A_263, %swap3A_264] {strides = array<i32>} : memref<4x128xi32, #tpu.memory_space<vmem>>, vector<16xi32>,
    tpu.vector_store %arg6[%swap3A_263, %swap3A_264], %shift_right_logical3A_261 {strides = array<i32>} : memref<4x128xi32, #tpu.memory_space<vmem>>, vector<16xi32>,
    %get3A_266 = arith.constant 2 : i32
    %get3A_267 = arith.index_cast %get3A_266 : i32 to index
    %get3A_268 = arith.constant 112 : index
    %get3A_269 = tpu.vector_load %arg5[%get3A_267, %get3A_268] {strides = array<i32>} : memref<200x128xi32, #tpu.memory_space<vmem>>, vector<16xi32>,
    %shift_right_logical3A_270 = arith.constant 1 : i32
    %shift_right_logical3A_271 = vector.broadcast %shift_right_logical3A_270 : i32 to vector<16xi32>
    %shift_right_logical3A_272 = arith.shrui %get3A_269, %shift_right_logical3A_271 : vector<16xi32>
    %swap3A_273 = arith.constant 2 : i32
    %swap3A_274 = arith.index_cast %swap3A_273 : i32 to index
    %swap3A_275 = arith.constant 112 : index
    %swap3A_276 = tpu.vector_load %arg6[%swap3A_274, %swap3A_275] {strides = array<i32>} : memref<4x128xi32, #tpu.memory_space<vmem>>, vector<16xi32>,
    tpu.vector_store %arg6[%swap3A_274, %swap3A_275], %shift_right_logical3A_272 {strides = array<i32>} : memref<4x128xi32, #tpu.memory_space<vmem>>, vector<16xi32>,
    %dma_start3A_277 = arith.constant 2 : i32
    %dma_start3A_278 = arith.constant 0 : i32
    %dma_start3A_279 = tpu.memref_slice %arg6[%dma_start3A_277, %dma_start3A_278] : memref<4x128xi32, #tpu.memory_space<vmem>> -> memref<1x128xi32, #tpu.memory_space<vmem>>
    %dma_start3A_280 = tpu.memref_squeeze %dma_start3A_279 : memref<1x128xi32, #tpu.memory_space<vmem>> -> memref<128xi32, #tpu.memory_space<vmem>>
    %dma_start3A_281 = arith.constant 0 : i32
    %dma_start3A_282 = arith.constant 0 : i32
    %dma_start3A_283 = tpu.memref_slice %arg3[%dma_start3A_281, %dma_start3A_282] : memref<500000x128xf32, #tpu.memory_space<hbm>> -> memref<500000x128xf32, #tpu.memory_space<hbm>>
    tpu.enqueue_indirect_dma source(%dma_start3A_283 : memref<500000x128xf32, #tpu.memory_space<hbm>>) target(%arg9 : memref<128x128xf32, #tpu.memory_space<vmem>>) offsets(%dma_start3A_280 : memref<128xi32, #tpu.memory_space<vmem>>) semaphore(%arg17 : memref<!tpu.dma_semaphore, #tpu.memory_space<semaphore_mem>>)
    %scan3A = arith.constant 0 : i32
    %scan3A_284 = arith.constant 50 : i32
    %scan3A_285 = arith.addi %scan3A, %scan3A_284 : i32
    %scan3A_286 = arith.constant 1 : i32
    scf.for %scan3A_315 = %scan3A to %scan3A_285 step %scan3A_286  : i32 {
      %mul3A_316 = arith.constant 1 : i32
      %mul3A_317 = arith.muli %scan3A_315, %mul3A_316 : i32
      %add3A_318 = arith.constant 0 : i32
      %add3A_319 = arith.addi %add3A_318, %mul3A_317 : i32
      %mul3A_320 = arith.constant 4 : i32
      %mul3A_321 = arith.muli %add3A_319, %mul3A_320 : i32
      %add3A_322 = arith.constant 0 : i32
      %add3A_323 = arith.addi %mul3A_321, %add3A_322 : i32
      %dma_wait3A_324 = arith.constant 0 : i32
      %dma_wait3A_325 = arith.constant 0 : i32
      %dma_wait3A_326 = tpu.memref_slice %arg6[%dma_wait3A_324, %dma_wait3A_325] : memref<4x128xi32, #tpu.memory_space<vmem>> -> memref<1x128xi32, #tpu.memory_space<vmem>>
      %dma_wait3A_327 = tpu.memref_squeeze %dma_wait3A_326 : memref<1x128xi32, #tpu.memory_space<vmem>> -> memref<128xi32, #tpu.memory_space<vmem>>
      %dma_wait3A_328 = arith.constant 0 : i32
      %dma_wait3A_329 = arith.constant 0 : i32
      %dma_wait3A_330 = tpu.memref_slice %arg3[%dma_wait3A_328, %dma_wait3A_329] : memref<500000x128xf32, #tpu.memory_space<hbm>> -> memref<500000x128xf32, #tpu.memory_space<hbm>>
      tpu.wait_indirect_dma semaphore(%arg15 : memref<!tpu.dma_semaphore, #tpu.memory_space<semaphore_mem>>) src(%dma_wait3A_330 : memref<500000x128xf32, #tpu.memory_space<hbm>>) dst(%arg7 : memref<128x128xf32, #tpu.memory_space<vmem>>)
      %add3A_331 = arith.constant 3 : i32
      %add3A_332 = arith.addi %add3A_323, %add3A_331 : i32
      %lt3A = arith.constant 200 : i32
      %lt3A_333 = arith.cmpi slt, %add3A_332, %lt3A : i32
      %convert_element_type3A = arith.extui %lt3A_333 : i1 to i32
      %cond3A = arith.constant 0 : i32
      %cond3A_334 = arith.cmpi ne, %convert_element_type3A, %cond3A : i32
      scf.if %cond3A_334 {
        %add3A_452 = arith.constant 3 : i32
        %add3A_453 = arith.addi %add3A_323, %add3A_452 : i32
        %get3A_454 = arith.index_cast %add3A_453 : i32 to index
        %get3A_455 = arith.constant 0 : index
        %get3A_456 = tpu.vector_load %arg5[%get3A_454, %get3A_455] {strides = array<i32>} : memref<200x128xi32, #tpu.memory_space<vmem>>, vector<16xi32>,
        %shift_right_logical3A_457 = arith.constant 1 : i32
        %shift_right_logical3A_458 = vector.broadcast %shift_right_logical3A_457 : i32 to vector<16xi32>
        %shift_right_logical3A_459 = arith.shrui %get3A_456, %shift_right_logical3A_458 : vector<16xi32>
        %swap3A_460 = arith.constant 3 : i32
        %swap3A_461 = arith.index_cast %swap3A_460 : i32 to index
        %swap3A_462 = arith.constant 0 : index
        %swap3A_463 = tpu.vector_load %arg6[%swap3A_461, %swap3A_462] {strides = array<i32>} : memref<4x128xi32, #tpu.memory_space<vmem>>, vector<16xi32>,
        tpu.vector_store %arg6[%swap3A_461, %swap3A_462], %shift_right_logical3A_459 {strides = array<i32>} : memref<4x128xi32, #tpu.memory_space<vmem>>, vector<16xi32>,
        %get3A_464 = arith.index_cast %add3A_453 : i32 to index
        %get3A_465 = arith.constant 16 : index
        %get3A_466 = tpu.vector_load %arg5[%get3A_464, %get3A_465] {strides = array<i32>} : memref<200x128xi32, #tpu.memory_space<vmem>>, vector<16xi32>,
        %shift_right_logical3A_467 = arith.constant 1 : i32
        %shift_right_logical3A_468 = vector.broadcast %shift_right_logical3A_467 : i32 to vector<16xi32>
        %shift_right_logical3A_469 = arith.shrui %get3A_466, %shift_right_logical3A_468 : vector<16xi32>
        %swap3A_470 = arith.constant 3 : i32
        %swap3A_471 = arith.index_cast %swap3A_470 : i32 to index
        %swap3A_472 = arith.constant 16 : index
        %swap3A_473 = tpu.vector_load %arg6[%swap3A_471, %swap3A_472] {strides = array<i32>} : memref<4x128xi32, #tpu.memory_space<vmem>>, vector<16xi32>,
        tpu.vector_store %arg6[%swap3A_471, %swap3A_472], %shift_right_logical3A_469 {strides = array<i32>} : memref<4x128xi32, #tpu.memory_space<vmem>>, vector<16xi32>,
        %get3A_474 = arith.index_cast %add3A_453 : i32 to index
        %get3A_475 = arith.constant 32 : index
        %get3A_476 = tpu.vector_load %arg5[%get3A_474, %get3A_475] {strides = array<i32>} : memref<200x128xi32, #tpu.memory_space<vmem>>, vector<16xi32>,
        %shift_right_logical3A_477 = arith.constant 1 : i32
        %shift_right_logical3A_478 = vector.broadcast %shift_right_logical3A_477 : i32 to vector<16xi32>
        %shift_right_logical3A_479 = arith.shrui %get3A_476, %shift_right_logical3A_478 : vector<16xi32>
        %swap3A_480 = arith.constant 3 : i32
        %swap3A_481 = arith.index_cast %swap3A_480 : i32 to index
        %swap3A_482 = arith.constant 32 : index
        %swap3A_483 = tpu.vector_load %arg6[%swap3A_481, %swap3A_482] {strides = array<i32>} : memref<4x128xi32, #tpu.memory_space<vmem>>, vector<16xi32>,
        tpu.vector_store %arg6[%swap3A_481, %swap3A_482], %shift_right_logical3A_479 {strides = array<i32>} : memref<4x128xi32, #tpu.memory_space<vmem>>, vector<16xi32>,
        %get3A_484 = arith.index_cast %add3A_453 : i32 to index
        %get3A_485 = arith.constant 48 : index
        %get3A_486 = tpu.vector_load %arg5[%get3A_484, %get3A_485] {strides = array<i32>} : memref<200x128xi32, #tpu.memory_space<vmem>>, vector<16xi32>,
        %shift_right_logical3A_487 = arith.constant 1 : i32
        %shift_right_logical3A_488 = vector.broadcast %shift_right_logical3A_487 : i32 to vector<16xi32>
        %shift_right_logical3A_489 = arith.shrui %get3A_486, %shift_right_logical3A_488 : vector<16xi32>
        %swap3A_490 = arith.constant 3 : i32
        %swap3A_491 = arith.index_cast %swap3A_490 : i32 to index
        %swap3A_492 = arith.constant 48 : index
        %swap3A_493 = tpu.vector_load %arg6[%swap3A_491, %swap3A_492] {strides = array<i32>} : memref<4x128xi32, #tpu.memory_space<vmem>>, vector<16xi32>,
        tpu.vector_store %arg6[%swap3A_491, %swap3A_492], %shift_right_logical3A_489 {strides = array<i32>} : memref<4x128xi32, #tpu.memory_space<vmem>>, vector<16xi32>,
        %get3A_494 = arith.index_cast %add3A_453 : i32 to index
        %get3A_495 = arith.constant 64 : index
        %get3A_496 = tpu.vector_load %arg5[%get3A_494, %get3A_495] {strides = array<i32>} : memref<200x128xi32, #tpu.memory_space<vmem>>, vector<16xi32>,
        %shift_right_logical3A_497 = arith.constant 1 : i32
        %shift_right_logical3A_498 = vector.broadcast %shift_right_logical3A_497 : i32 to vector<16xi32>
        %shift_right_logical3A_499 = arith.shrui %get3A_496, %shift_right_logical3A_498 : vector<16xi32>
        %swap3A_500 = arith.constant 3 : i32
        %swap3A_501 = arith.index_cast %swap3A_500 : i32 to index
        %swap3A_502 = arith.constant 64 : index
        %swap3A_503 = tpu.vector_load %arg6[%swap3A_501, %swap3A_502] {strides = array<i32>} : memref<4x128xi32, #tpu.memory_space<vmem>>, vector<16xi32>,
        tpu.vector_store %arg6[%swap3A_501, %swap3A_502], %shift_right_logical3A_499 {strides = array<i32>} : memref<4x128xi32, #tpu.memory_space<vmem>>, vector<16xi32>,
        %get3A_504 = arith.index_cast %add3A_453 : i32 to index
        %get3A_505 = arith.constant 80 : index
        %get3A_506 = tpu.vector_load %arg5[%get3A_504, %get3A_505] {strides = array<i32>} : memref<200x128xi32, #tpu.memory_space<vmem>>, vector<16xi32>,
        %shift_right_logical3A_507 = arith.constant 1 : i32
        %shift_right_logical3A_508 = vector.broadcast %shift_right_logical3A_507 : i32 to vector<16xi32>
        %shift_right_logical3A_509 = arith.shrui %get3A_506, %shift_right_logical3A_508 : vector<16xi32>
        %swap3A_510 = arith.constant 3 : i32
        %swap3A_511 = arith.index_cast %swap3A_510 : i32 to index
        %swap3A_512 = arith.constant 80 : index
        %swap3A_513 = tpu.vector_load %arg6[%swap3A_511, %swap3A_512] {strides = array<i32>} : memref<4x128xi32, #tpu.memory_space<vmem>>, vector<16xi32>,
        tpu.vector_store %arg6[%swap3A_511, %swap3A_512], %shift_right_logical3A_509 {strides = array<i32>} : memref<4x128xi32, #tpu.memory_space<vmem>>, vector<16xi32>,
        %get3A_514 = arith.index_cast %add3A_453 : i32 to index
        %get3A_515 = arith.constant 96 : index
        %get3A_516 = tpu.vector_load %arg5[%get3A_514, %get3A_515] {strides = array<i32>} : memref<200x128xi32, #tpu.memory_space<vmem>>, vector<16xi32>,
        %shift_right_logical3A_517 = arith.constant 1 : i32
        %shift_right_logical3A_518 = vector.broadcast %shift_right_logical3A_517 : i32 to vector<16xi32>
        %shift_right_logical3A_519 = arith.shrui %get3A_516, %shift_right_logical3A_518 : vector<16xi32>
        %swap3A_520 = arith.constant 3 : i32
        %swap3A_521 = arith.index_cast %swap3A_520 : i32 to index
        %swap3A_522 = arith.constant 96 : index
        %swap3A_523 = tpu.vector_load %arg6[%swap3A_521, %swap3A_522] {strides = array<i32>} : memref<4x128xi32, #tpu.memory_space<vmem>>, vector<16xi32>,
        tpu.vector_store %arg6[%swap3A_521, %swap3A_522], %shift_right_logical3A_519 {strides = array<i32>} : memref<4x128xi32, #tpu.memory_space<vmem>>, vector<16xi32>,
        %get3A_524 = arith.index_cast %add3A_453 : i32 to index
        %get3A_525 = arith.constant 112 : index
        %get3A_526 = tpu.vector_load %arg5[%get3A_524, %get3A_525] {strides = array<i32>} : memref<200x128xi32, #tpu.memory_space<vmem>>, vector<16xi32>,
        %shift_right_logical3A_527 = arith.constant 1 : i32
        %shift_right_logical3A_528 = vector.broadcast %shift_right_logical3A_527 : i32 to vector<16xi32>
        %shift_right_logical3A_529 = arith.shrui %get3A_526, %shift_right_logical3A_528 : vector<16xi32>
        %swap3A_530 = arith.constant 3 : i32
        %swap3A_531 = arith.index_cast %swap3A_530 : i32 to index
        %swap3A_532 = arith.constant 112 : index
        %swap3A_533 = tpu.vector_load %arg6[%swap3A_531, %swap3A_532] {strides = array<i32>} : memref<4x128xi32, #tpu.memory_space<vmem>>, vector<16xi32>,
        tpu.vector_store %arg6[%swap3A_531, %swap3A_532], %shift_right_logical3A_529 {strides = array<i32>} : memref<4x128xi32, #tpu.memory_space<vmem>>, vector<16xi32>,
        %dma_start3A_534 = arith.constant 3 : i32
        %dma_start3A_535 = arith.constant 0 : i32
        %dma_start3A_536 = tpu.memref_slice %arg6[%dma_start3A_534, %dma_start3A_535] : memref<4x128xi32, #tpu.memory_space<vmem>> -> memref<1x128xi32, #tpu.memory_space<vmem>>
        %dma_start3A_537 = tpu.memref_squeeze %dma_start3A_536 : memref<1x128xi32, #tpu.memory_space<vmem>> -> memref<128xi32, #tpu.memory_space<vmem>>
        %dma_start3A_538 = arith.constant 0 : i32
        %dma_start3A_539 = arith.constant 0 : i32
        %dma_start3A_540 = tpu.memref_slice %arg3[%dma_start3A_538, %dma_start3A_539] : memref<500000x128xf32, #tpu.memory_space<hbm>> -> memref<500000x128xf32, #tpu.memory_space<hbm>>
        tpu.enqueue_indirect_dma source(%dma_start3A_540 : memref<500000x128xf32, #tpu.memory_space<hbm>>) target(%arg10 : memref<128x128xf32, #tpu.memory_space<vmem>>) offsets(%dma_start3A_537 : memref<128xi32, #tpu.memory_space<vmem>>) semaphore(%arg18 : memref<!tpu.dma_semaphore, #tpu.memory_space<semaphore_mem>>)
      } else {
      }
      %ge3A = arith.constant 4 : i32
      %ge3A_335 = arith.cmpi sge, %add3A_323, %ge3A : i32
      %convert_element_type3A_336 = arith.extui %ge3A_335 : i1 to i32
      %cond3A_337 = arith.constant 0 : i32
      %cond3A_338 = arith.cmpi ne, %convert_element_type3A_336, %cond3A_337 : i32
      scf.if %cond3A_338 {
        %sub3A = arith.constant 4 : i32
        %sub3A_452 = arith.subi %add3A_323, %sub3A : i32
        %dma_wait3A_453 = arith.constant 0 : i32
        %dma_wait3A_454 = tpu.memref_slice %arg4[%sub3A_452, %dma_wait3A_453, %multiple_of3A] : memref<200x64x4096xf32, #tpu.memory_space<hbm>> -> memref<1x64x128xf32, #tpu.memory_space<hbm>>
        %dma_wait3A_455 = tpu.memref_squeeze %dma_wait3A_454 : memref<1x64x128xf32, #tpu.memory_space<hbm>> -> memref<64x128xf32, #tpu.memory_space<hbm>>
        %dma_wait3A_456 = arith.constant 0 : i32
        %dma_wait3A_457 = tpu.memref_slice %arg4[%sub3A_452, %dma_wait3A_456, %multiple_of3A] : memref<200x64x4096xf32, #tpu.memory_space<hbm>> -> memref<1x64x128xf32, #tpu.memory_space<hbm>>
        %dma_wait3A_458 = tpu.memref_squeeze %dma_wait3A_457 : memref<1x64x128xf32, #tpu.memory_space<hbm>> -> memref<64x128xf32, #tpu.memory_space<hbm>>
        tpu.wait_dma2 semaphore(%arg19 : memref<!tpu.dma_semaphore, #tpu.memory_space<semaphore_mem>>) src(%arg11 : memref<64x128xf32, #tpu.memory_space<vmem>>) dst(%dma_wait3A_458 : memref<64x128xf32, #tpu.memory_space<hbm>>)
      } else {
      }
      %scan3A_339 = arith.constant 0 : i32
      %scan3A_340 = arith.constant 8 : i32
      %scan3A_341 = arith.addi %scan3A_339, %scan3A_340 : i32
      %scan3A_342 = arith.constant 1 : i32
      scf.for %scan3A_452 = %scan3A_339 to %scan3A_341 step %scan3A_342  : i32 {
        %mul3A_453 = arith.constant 1 : i32
        %mul3A_454 = arith.muli %scan3A_452, %mul3A_453 : i32
        %add3A_455 = arith.constant 0 : i32
        %add3A_456 = arith.addi %add3A_455, %mul3A_454 : i32
        %mul3A_457 = arith.constant 16 : i32
        %mul3A_458 = arith.muli %add3A_456, %mul3A_457 : i32
        %get3A_459 = arith.index_cast %add3A_323 : i32 to index
        %get3A_460 = arith.index_cast %mul3A_458 : i32 to index
        %get3A_461 = tpu.vector_load %arg5[%get3A_459, %get3A_460] {strides = array<i32>} : memref<200x128xi32, #tpu.memory_space<vmem>>, vector<16xi32>,
        %mul3A_462 = arith.constant 16 : i32
        %mul3A_463 = arith.muli %add3A_456, %mul3A_462 : i32
        %add3A_464 = vector.broadcast %mul3A_463 : i32 to vector<16xi32>
        %add3A_465 = arith.addi %add3A_464, %iota3A : vector<16xi32>
        %and3A = arith.constant 1 : i32
        %and3A_466 = vector.broadcast %and3A : i32 to vector<16xi32>
        %and3A_467 = arith.andi %get3A_461, %and3A_466 : vector<16xi32>
        %shift_left3A = arith.constant 6 : i32
        %shift_left3A_468 = vector.broadcast %shift_left3A : i32 to vector<16xi32>
        %shift_left3A_469 = arith.shli %and3A_467, %shift_left3A_468 : vector<16xi32>
        %parallel_loop3A = arith.constant 0 : i32
        %parallel_loop3A_470 = arith.constant 64 : i32
        %parallel_loop3A_471 = arith.constant 1 : i32
        scf.for %parallel_loop3A_472 = %parallel_loop3A to %parallel_loop3A_470 step %parallel_loop3A_471  : i32 {
          %parallel_loop3A_473 = vector.broadcast %parallel_loop3A_472 : i32 to vector<16xi32>
          %parallel_loop3A_474 = arith.addi %shift_left3A_469, %parallel_loop3A_473 : vector<16xi32>
          %parallel_loop3A_475 = tpu.vector_load_idx %arg7[%add3A_465, %parallel_loop3A_474] : memref<128x128xf32, #tpu.memory_space<vmem>>[vector<16xi32>, vector<16xi32>], vector<16xf32>,
          %parallel_loop3A_476 = arith.constant 8.000000e+00 : f32
          %parallel_loop3A_477 = vector.broadcast %parallel_loop3A_476 : f32 to vector<16xf32>
          %parallel_loop3A_478 = arith.mulf %parallel_loop3A_475, %parallel_loop3A_477 : vector<16xf32>
          %parallel_loop3A_479 = arith.constant 16 : i32
          %parallel_loop3A_480 = arith.muli %add3A_456, %parallel_loop3A_479 : i32
          %parallel_loop3A_481 = arith.index_cast %parallel_loop3A_472 : i32 to index
          %parallel_loop3A_482 = arith.index_cast %parallel_loop3A_480 : i32 to index
          %parallel_loop3A_483 = tpu.vector_load %arg11[%parallel_loop3A_481, %parallel_loop3A_482] {strides = array<i32>} : memref<64x128xf32, #tpu.memory_space<vmem>>, vector<16xf32>,
          tpu.vector_store %arg11[%parallel_loop3A_481, %parallel_loop3A_482], %parallel_loop3A_478 {strides = array<i32>} : memref<64x128xf32, #tpu.memory_space<vmem>>, vector<16xf32>,
        } {sc.loop_unroll_factor = 8 : i64, sc.parallel_access}
      }
      %scan3A_343 = arith.constant 8 : i32
      %dma_start3A_344 = arith.constant 0 : i32
      %dma_start3A_345 = tpu.memref_slice %arg4[%add3A_323, %dma_start3A_344, %multiple_of3A] : memref<200x64x4096xf32, #tpu.memory_space<hbm>> -> memref<1x64x128xf32, #tpu.memory_space<hbm>>
      %dma_start3A_346 = tpu.memref_squeeze %dma_start3A_345 : memref<1x64x128xf32, #tpu.memory_space<hbm>> -> memref<64x128xf32, #tpu.memory_space<hbm>>
      %dma_start3A_347 = arith.constant 0 : i32
      %dma_start3A_348 = tpu.memref_slice %arg4[%add3A_323, %dma_start3A_347, %multiple_of3A] : memref<200x64x4096xf32, #tpu.memory_space<hbm>> -> memref<1x64x128xf32, #tpu.memory_space<hbm>>
      %dma_start3A_349 = tpu.memref_squeeze %dma_start3A_348 : memref<1x64x128xf32, #tpu.memory_space<hbm>> -> memref<64x128xf32, #tpu.memory_space<hbm>>
      tpu.enqueue_dma source(%arg11 : memref<64x128xf32, #tpu.memory_space<vmem>>) target(%dma_start3A_349 : memref<64x128xf32, #tpu.memory_space<hbm>>) target_semaphore(%arg19 : memref<!tpu.dma_semaphore, #tpu.memory_space<semaphore_mem>>)
      %mul3A_350 = arith.constant 4 : i32
      %mul3A_351 = arith.muli %add3A_319, %mul3A_350 : i32
      %add3A_352 = arith.constant 1 : i32
      %add3A_353 = arith.addi %mul3A_351, %add3A_352 : i32
      %dma_wait3A_354 = arith.constant 1 : i32
      %dma_wait3A_355 = arith.constant 0 : i32
      %dma_wait3A_356 = tpu.memref_slice %arg6[%dma_wait3A_354, %dma_wait3A_355] : memref<4x128xi32, #tpu.memory_space<vmem>> -> memref<1x128xi32, #tpu.memory_space<vmem>>
      %dma_wait3A_357 = tpu.memref_squeeze %dma_wait3A_356 : memref<1x128xi32, #tpu.memory_space<vmem>> -> memref<128xi32, #tpu.memory_space<vmem>>
      %dma_wait3A_358 = arith.constant 0 : i32
      %dma_wait3A_359 = arith.constant 0 : i32
      %dma_wait3A_360 = tpu.memref_slice %arg3[%dma_wait3A_358, %dma_wait3A_359] : memref<500000x128xf32, #tpu.memory_space<hbm>> -> memref<500000x128xf32, #tpu.memory_space<hbm>>
      tpu.wait_indirect_dma semaphore(%arg16 : memref<!tpu.dma_semaphore, #tpu.memory_space<semaphore_mem>>) src(%dma_wait3A_360 : memref<500000x128xf32, #tpu.memory_space<hbm>>) dst(%arg8 : memref<128x128xf32, #tpu.memory_space<vmem>>)
      %add3A_361 = arith.constant 3 : i32
      %add3A_362 = arith.addi %add3A_353, %add3A_361 : i32
      %lt3A_363 = arith.constant 200 : i32
      %lt3A_364 = arith.cmpi slt, %add3A_362, %lt3A_363 : i32
      %convert_element_type3A_365 = arith.extui %lt3A_364 : i1 to i32
      %cond3A_366 = arith.constant 0 : i32
      %cond3A_367 = arith.cmpi ne, %convert_element_type3A_365, %cond3A_366 : i32
      scf.if %cond3A_367 {
        %add3A_452 = arith.constant 3 : i32
        %add3A_453 = arith.addi %add3A_353, %add3A_452 : i32
        %get3A_454 = arith.index_cast %add3A_453 : i32 to index
        %get3A_455 = arith.constant 0 : index
        %get3A_456 = tpu.vector_load %arg5[%get3A_454, %get3A_455] {strides = array<i32>} : memref<200x128xi32, #tpu.memory_space<vmem>>, vector<16xi32>,
        %shift_right_logical3A_457 = arith.constant 1 : i32
        %shift_right_logical3A_458 = vector.broadcast %shift_right_logical3A_457 : i32 to vector<16xi32>
        %shift_right_logical3A_459 = arith.shrui %get3A_456, %shift_right_logical3A_458 : vector<16xi32>
        %swap3A_460 = arith.constant 0 : i32
        %swap3A_461 = arith.index_cast %swap3A_460 : i32 to index
        %swap3A_462 = arith.constant 0 : index
        %swap3A_463 = tpu.vector_load %arg6[%swap3A_461, %swap3A_462] {strides = array<i32>} : memref<4x128xi32, #tpu.memory_space<vmem>>, vector<16xi32>,
        tpu.vector_store %arg6[%swap3A_461, %swap3A_462], %shift_right_logical3A_459 {strides = array<i32>} : memref<4x128xi32, #tpu.memory_space<vmem>>, vector<16xi32>,
        %get3A_464 = arith.index_cast %add3A_453 : i32 to index
        %get3A_465 = arith.constant 16 : index
        %get3A_466 = tpu.vector_load %arg5[%get3A_464, %get3A_465] {strides = array<i32>} : memref<200x128xi32, #tpu.memory_space<vmem>>, vector<16xi32>,
        %shift_right_logical3A_467 = arith.constant 1 : i32
        %shift_right_logical3A_468 = vector.broadcast %shift_right_logical3A_467 : i32 to vector<16xi32>
        %shift_right_logical3A_469 = arith.shrui %get3A_466, %shift_right_logical3A_468 : vector<16xi32>
        %swap3A_470 = arith.constant 0 : i32
        %swap3A_471 = arith.index_cast %swap3A_470 : i32 to index
        %swap3A_472 = arith.constant 16 : index
        %swap3A_473 = tpu.vector_load %arg6[%swap3A_471, %swap3A_472] {strides = array<i32>} : memref<4x128xi32, #tpu.memory_space<vmem>>, vector<16xi32>,
        tpu.vector_store %arg6[%swap3A_471, %swap3A_472], %shift_right_logical3A_469 {strides = array<i32>} : memref<4x128xi32, #tpu.memory_space<vmem>>, vector<16xi32>,
        %get3A_474 = arith.index_cast %add3A_453 : i32 to index
        %get3A_475 = arith.constant 32 : index
        %get3A_476 = tpu.vector_load %arg5[%get3A_474, %get3A_475] {strides = array<i32>} : memref<200x128xi32, #tpu.memory_space<vmem>>, vector<16xi32>,
        %shift_right_logical3A_477 = arith.constant 1 : i32
        %shift_right_logical3A_478 = vector.broadcast %shift_right_logical3A_477 : i32 to vector<16xi32>
        %shift_right_logical3A_479 = arith.shrui %get3A_476, %shift_right_logical3A_478 : vector<16xi32>
        %swap3A_480 = arith.constant 0 : i32
        %swap3A_481 = arith.index_cast %swap3A_480 : i32 to index
        %swap3A_482 = arith.constant 32 : index
        %swap3A_483 = tpu.vector_load %arg6[%swap3A_481, %swap3A_482] {strides = array<i32>} : memref<4x128xi32, #tpu.memory_space<vmem>>, vector<16xi32>,
        tpu.vector_store %arg6[%swap3A_481, %swap3A_482], %shift_right_logical3A_479 {strides = array<i32>} : memref<4x128xi32, #tpu.memory_space<vmem>>, vector<16xi32>,
        %get3A_484 = arith.index_cast %add3A_453 : i32 to index
        %get3A_485 = arith.constant 48 : index
        %get3A_486 = tpu.vector_load %arg5[%get3A_484, %get3A_485] {strides = array<i32>} : memref<200x128xi32, #tpu.memory_space<vmem>>, vector<16xi32>,
        %shift_right_logical3A_487 = arith.constant 1 : i32
        %shift_right_logical3A_488 = vector.broadcast %shift_right_logical3A_487 : i32 to vector<16xi32>
        %shift_right_logical3A_489 = arith.shrui %get3A_486, %shift_right_logical3A_488 : vector<16xi32>
        %swap3A_490 = arith.constant 0 : i32
        %swap3A_491 = arith.index_cast %swap3A_490 : i32 to index
        %swap3A_492 = arith.constant 48 : index
        %swap3A_493 = tpu.vector_load %arg6[%swap3A_491, %swap3A_492] {strides = array<i32>} : memref<4x128xi32, #tpu.memory_space<vmem>>, vector<16xi32>,
        tpu.vector_store %arg6[%swap3A_491, %swap3A_492], %shift_right_logical3A_489 {strides = array<i32>} : memref<4x128xi32, #tpu.memory_space<vmem>>, vector<16xi32>,
        %get3A_494 = arith.index_cast %add3A_453 : i32 to index
        %get3A_495 = arith.constant 64 : index
        %get3A_496 = tpu.vector_load %arg5[%get3A_494, %get3A_495] {strides = array<i32>} : memref<200x128xi32, #tpu.memory_space<vmem>>, vector<16xi32>,
        %shift_right_logical3A_497 = arith.constant 1 : i32
        %shift_right_logical3A_498 = vector.broadcast %shift_right_logical3A_497 : i32 to vector<16xi32>
        %shift_right_logical3A_499 = arith.shrui %get3A_496, %shift_right_logical3A_498 : vector<16xi32>
        %swap3A_500 = arith.constant 0 : i32
        %swap3A_501 = arith.index_cast %swap3A_500 : i32 to index
        %swap3A_502 = arith.constant 64 : index
        %swap3A_503 = tpu.vector_load %arg6[%swap3A_501, %swap3A_502] {strides = array<i32>} : memref<4x128xi32, #tpu.memory_space<vmem>>, vector<16xi32>,
        tpu.vector_store %arg6[%swap3A_501, %swap3A_502], %shift_right_logical3A_499 {strides = array<i32>} : memref<4x128xi32, #tpu.memory_space<vmem>>, vector<16xi32>,
        %get3A_504 = arith.index_cast %add3A_453 : i32 to index
        %get3A_505 = arith.constant 80 : index
        %get3A_506 = tpu.vector_load %arg5[%get3A_504, %get3A_505] {strides = array<i32>} : memref<200x128xi32, #tpu.memory_space<vmem>>, vector<16xi32>,
        %shift_right_logical3A_507 = arith.constant 1 : i32
        %shift_right_logical3A_508 = vector.broadcast %shift_right_logical3A_507 : i32 to vector<16xi32>
        %shift_right_logical3A_509 = arith.shrui %get3A_506, %shift_right_logical3A_508 : vector<16xi32>
        %swap3A_510 = arith.constant 0 : i32
        %swap3A_511 = arith.index_cast %swap3A_510 : i32 to index
        %swap3A_512 = arith.constant 80 : index
        %swap3A_513 = tpu.vector_load %arg6[%swap3A_511, %swap3A_512] {strides = array<i32>} : memref<4x128xi32, #tpu.memory_space<vmem>>, vector<16xi32>,
        tpu.vector_store %arg6[%swap3A_511, %swap3A_512], %shift_right_logical3A_509 {strides = array<i32>} : memref<4x128xi32, #tpu.memory_space<vmem>>, vector<16xi32>,
        %get3A_514 = arith.index_cast %add3A_453 : i32 to index
        %get3A_515 = arith.constant 96 : index
        %get3A_516 = tpu.vector_load %arg5[%get3A_514, %get3A_515] {strides = array<i32>} : memref<200x128xi32, #tpu.memory_space<vmem>>, vector<16xi32>,
        %shift_right_logical3A_517 = arith.constant 1 : i32
        %shift_right_logical3A_518 = vector.broadcast %shift_right_logical3A_517 : i32 to vector<16xi32>
        %shift_right_logical3A_519 = arith.shrui %get3A_516, %shift_right_logical3A_518 : vector<16xi32>
        %swap3A_520 = arith.constant 0 : i32
        %swap3A_521 = arith.index_cast %swap3A_520 : i32 to index
        %swap3A_522 = arith.constant 96 : index
        %swap3A_523 = tpu.vector_load %arg6[%swap3A_521, %swap3A_522] {strides = array<i32>} : memref<4x128xi32, #tpu.memory_space<vmem>>, vector<16xi32>,
        tpu.vector_store %arg6[%swap3A_521, %swap3A_522], %shift_right_logical3A_519 {strides = array<i32>} : memref<4x128xi32, #tpu.memory_space<vmem>>, vector<16xi32>,
        %get3A_524 = arith.index_cast %add3A_453 : i32 to index
        %get3A_525 = arith.constant 112 : index
        %get3A_526 = tpu.vector_load %arg5[%get3A_524, %get3A_525] {strides = array<i32>} : memref<200x128xi32, #tpu.memory_space<vmem>>, vector<16xi32>,
        %shift_right_logical3A_527 = arith.constant 1 : i32
        %shift_right_logical3A_528 = vector.broadcast %shift_right_logical3A_527 : i32 to vector<16xi32>
        %shift_right_logical3A_529 = arith.shrui %get3A_526, %shift_right_logical3A_528 : vector<16xi32>
        %swap3A_530 = arith.constant 0 : i32
        %swap3A_531 = arith.index_cast %swap3A_530 : i32 to index
        %swap3A_532 = arith.constant 112 : index
        %swap3A_533 = tpu.vector_load %arg6[%swap3A_531, %swap3A_532] {strides = array<i32>} : memref<4x128xi32, #tpu.memory_space<vmem>>, vector<16xi32>,
        tpu.vector_store %arg6[%swap3A_531, %swap3A_532], %shift_right_logical3A_529 {strides = array<i32>} : memref<4x128xi32, #tpu.memory_space<vmem>>, vector<16xi32>,
        %dma_start3A_534 = arith.constant 0 : i32
        %dma_start3A_535 = arith.constant 0 : i32
        %dma_start3A_536 = tpu.memref_slice %arg6[%dma_start3A_534, %dma_start3A_535] : memref<4x128xi32, #tpu.memory_space<vmem>> -> memref<1x128xi32, #tpu.memory_space<vmem>>
        %dma_start3A_537 = tpu.memref_squeeze %dma_start3A_536 : memref<1x128xi32, #tpu.memory_space<vmem>> -> memref<128xi32, #tpu.memory_space<vmem>>
        %dma_start3A_538 = arith.constant 0 : i32
        %dma_start3A_539 = arith.constant 0 : i32
        %dma_start3A_540 = tpu.memref_slice %arg3[%dma_start3A_538, %dma_start3A_539] : memref<500000x128xf32, #tpu.memory_space<hbm>> -> memref<500000x128xf32, #tpu.memory_space<hbm>>
        tpu.enqueue_indirect_dma source(%dma_start3A_540 : memref<500000x128xf32, #tpu.memory_space<hbm>>) target(%arg7 : memref<128x128xf32, #tpu.memory_space<vmem>>) offsets(%dma_start3A_537 : memref<128xi32, #tpu.memory_space<vmem>>) semaphore(%arg15 : memref<!tpu.dma_semaphore, #tpu.memory_space<semaphore_mem>>)
      } else {
      }
      %ge3A_368 = arith.constant 4 : i32
      %ge3A_369 = arith.cmpi sge, %add3A_353, %ge3A_368 : i32
      %convert_element_type3A_370 = arith.extui %ge3A_369 : i1 to i32
      %cond3A_371 = arith.constant 0 : i32
      %cond3A_372 = arith.cmpi ne, %convert_element_type3A_370, %cond3A_371 : i32
      scf.if %cond3A_372 {
        %sub3A = arith.constant 4 : i32
        %sub3A_452 = arith.subi %add3A_353, %sub3A : i32
        %dma_wait3A_453 = arith.constant 0 : i32
        %dma_wait3A_454 = tpu.memref_slice %arg4[%sub3A_452, %dma_wait3A_453, %multiple_of3A] : memref<200x64x4096xf32, #tpu.memory_space<hbm>> -> memref<1x64x128xf32, #tpu.memory_space<hbm>>
        %dma_wait3A_455 = tpu.memref_squeeze %dma_wait3A_454 : memref<1x64x128xf32, #tpu.memory_space<hbm>> -> memref<64x128xf32, #tpu.memory_space<hbm>>
        %dma_wait3A_456 = arith.constant 0 : i32
        %dma_wait3A_457 = tpu.memref_slice %arg4[%sub3A_452, %dma_wait3A_456, %multiple_of3A] : memref<200x64x4096xf32, #tpu.memory_space<hbm>> -> memref<1x64x128xf32, #tpu.memory_space<hbm>>
        %dma_wait3A_458 = tpu.memref_squeeze %dma_wait3A_457 : memref<1x64x128xf32, #tpu.memory_space<hbm>> -> memref<64x128xf32, #tpu.memory_space<hbm>>
        tpu.wait_dma2 semaphore(%arg20 : memref<!tpu.dma_semaphore, #tpu.memory_space<semaphore_mem>>) src(%arg12 : memref<64x128xf32, #tpu.memory_space<vmem>>) dst(%dma_wait3A_458 : memref<64x128xf32, #tpu.memory_space<hbm>>)
      } else {
      }
      %scan3A_373 = arith.constant 0 : i32
      %scan3A_374 = arith.constant 8 : i32
      %scan3A_375 = arith.addi %scan3A_373, %scan3A_374 : i32
      %scan3A_376 = arith.constant 1 : i32
      scf.for %scan3A_452 = %scan3A_373 to %scan3A_375 step %scan3A_376  : i32 {
        %mul3A_453 = arith.constant 1 : i32
        %mul3A_454 = arith.muli %scan3A_452, %mul3A_453 : i32
        %add3A_455 = arith.constant 0 : i32
        %add3A_456 = arith.addi %add3A_455, %mul3A_454 : i32
        %mul3A_457 = arith.constant 16 : i32
        %mul3A_458 = arith.muli %add3A_456, %mul3A_457 : i32
        %get3A_459 = arith.index_cast %add3A_353 : i32 to index
        %get3A_460 = arith.index_cast %mul3A_458 : i32 to index
        %get3A_461 = tpu.vector_load %arg5[%get3A_459, %get3A_460] {strides = array<i32>} : memref<200x128xi32, #tpu.memory_space<vmem>>, vector<16xi32>,
        %mul3A_462 = arith.constant 16 : i32
        %mul3A_463 = arith.muli %add3A_456, %mul3A_462 : i32
        %add3A_464 = vector.broadcast %mul3A_463 : i32 to vector<16xi32>
        %add3A_465 = arith.addi %add3A_464, %iota3A : vector<16xi32>
        %and3A = arith.constant 1 : i32
        %and3A_466 = vector.broadcast %and3A : i32 to vector<16xi32>
        %and3A_467 = arith.andi %get3A_461, %and3A_466 : vector<16xi32>
        %shift_left3A = arith.constant 6 : i32
        %shift_left3A_468 = vector.broadcast %shift_left3A : i32 to vector<16xi32>
        %shift_left3A_469 = arith.shli %and3A_467, %shift_left3A_468 : vector<16xi32>
        %parallel_loop3A = arith.constant 0 : i32
        %parallel_loop3A_470 = arith.constant 64 : i32
        %parallel_loop3A_471 = arith.constant 1 : i32
        scf.for %parallel_loop3A_472 = %parallel_loop3A to %parallel_loop3A_470 step %parallel_loop3A_471  : i32 {
          %parallel_loop3A_473 = vector.broadcast %parallel_loop3A_472 : i32 to vector<16xi32>
          %parallel_loop3A_474 = arith.addi %shift_left3A_469, %parallel_loop3A_473 : vector<16xi32>
          %parallel_loop3A_475 = tpu.vector_load_idx %arg8[%add3A_465, %parallel_loop3A_474] : memref<128x128xf32, #tpu.memory_space<vmem>>[vector<16xi32>, vector<16xi32>], vector<16xf32>,
          %parallel_loop3A_476 = arith.constant 8.000000e+00 : f32
          %parallel_loop3A_477 = vector.broadcast %parallel_loop3A_476 : f32 to vector<16xf32>
          %parallel_loop3A_478 = arith.mulf %parallel_loop3A_475, %parallel_loop3A_477 : vector<16xf32>
          %parallel_loop3A_479 = arith.constant 16 : i32
          %parallel_loop3A_480 = arith.muli %add3A_456, %parallel_loop3A_479 : i32
          %parallel_loop3A_481 = arith.index_cast %parallel_loop3A_472 : i32 to index
          %parallel_loop3A_482 = arith.index_cast %parallel_loop3A_480 : i32 to index
          %parallel_loop3A_483 = tpu.vector_load %arg12[%parallel_loop3A_481, %parallel_loop3A_482] {strides = array<i32>} : memref<64x128xf32, #tpu.memory_space<vmem>>, vector<16xf32>,
          tpu.vector_store %arg12[%parallel_loop3A_481, %parallel_loop3A_482], %parallel_loop3A_478 {strides = array<i32>} : memref<64x128xf32, #tpu.memory_space<vmem>>, vector<16xf32>,
        } {sc.loop_unroll_factor = 8 : i64, sc.parallel_access}
      }
      %scan3A_377 = arith.constant 8 : i32
      %dma_start3A_378 = arith.constant 0 : i32
      %dma_start3A_379 = tpu.memref_slice %arg4[%add3A_353, %dma_start3A_378, %multiple_of3A] : memref<200x64x4096xf32, #tpu.memory_space<hbm>> -> memref<1x64x128xf32, #tpu.memory_space<hbm>>
      %dma_start3A_380 = tpu.memref_squeeze %dma_start3A_379 : memref<1x64x128xf32, #tpu.memory_space<hbm>> -> memref<64x128xf32, #tpu.memory_space<hbm>>
      %dma_start3A_381 = arith.constant 0 : i32
      %dma_start3A_382 = tpu.memref_slice %arg4[%add3A_353, %dma_start3A_381, %multiple_of3A] : memref<200x64x4096xf32, #tpu.memory_space<hbm>> -> memref<1x64x128xf32, #tpu.memory_space<hbm>>
      %dma_start3A_383 = tpu.memref_squeeze %dma_start3A_382 : memref<1x64x128xf32, #tpu.memory_space<hbm>> -> memref<64x128xf32, #tpu.memory_space<hbm>>
      tpu.enqueue_dma source(%arg12 : memref<64x128xf32, #tpu.memory_space<vmem>>) target(%dma_start3A_383 : memref<64x128xf32, #tpu.memory_space<hbm>>) target_semaphore(%arg20 : memref<!tpu.dma_semaphore, #tpu.memory_space<semaphore_mem>>)
      %mul3A_384 = arith.constant 4 : i32
      %mul3A_385 = arith.muli %add3A_319, %mul3A_384 : i32
      %add3A_386 = arith.constant 2 : i32
      %add3A_387 = arith.addi %mul3A_385, %add3A_386 : i32
      %dma_wait3A_388 = arith.constant 2 : i32
      %dma_wait3A_389 = arith.constant 0 : i32
      %dma_wait3A_390 = tpu.memref_slice %arg6[%dma_wait3A_388, %dma_wait3A_389] : memref<4x128xi32, #tpu.memory_space<vmem>> -> memref<1x128xi32, #tpu.memory_space<vmem>>
      %dma_wait3A_391 = tpu.memref_squeeze %dma_wait3A_390 : memref<1x128xi32, #tpu.memory_space<vmem>> -> memref<128xi32, #tpu.memory_space<vmem>>
      %dma_wait3A_392 = arith.constant 0 : i32
      %dma_wait3A_393 = arith.constant 0 : i32
      %dma_wait3A_394 = tpu.memref_slice %arg3[%dma_wait3A_392, %dma_wait3A_393] : memref<500000x128xf32, #tpu.memory_space<hbm>> -> memref<500000x128xf32, #tpu.memory_space<hbm>>
      tpu.wait_indirect_dma semaphore(%arg17 : memref<!tpu.dma_semaphore, #tpu.memory_space<semaphore_mem>>) src(%dma_wait3A_394 : memref<500000x128xf32, #tpu.memory_space<hbm>>) dst(%arg9 : memref<128x128xf32, #tpu.memory_space<vmem>>)
      %add3A_395 = arith.constant 3 : i32
      %add3A_396 = arith.addi %add3A_387, %add3A_395 : i32
      %lt3A_397 = arith.constant 200 : i32
      %lt3A_398 = arith.cmpi slt, %add3A_396, %lt3A_397 : i32
      %convert_element_type3A_399 = arith.extui %lt3A_398 : i1 to i32
      %cond3A_400 = arith.constant 0 : i32
      %cond3A_401 = arith.cmpi ne, %convert_element_type3A_399, %cond3A_400 : i32
      scf.if %cond3A_401 {
        %add3A_452 = arith.constant 3 : i32
        %add3A_453 = arith.addi %add3A_387, %add3A_452 : i32
        %get3A_454 = arith.index_cast %add3A_453 : i32 to index
        %get3A_455 = arith.constant 0 : index
        %get3A_456 = tpu.vector_load %arg5[%get3A_454, %get3A_455] {strides = array<i32>} : memref<200x128xi32, #tpu.memory_space<vmem>>, vector<16xi32>,
        %shift_right_logical3A_457 = arith.constant 1 : i32
        %shift_right_logical3A_458 = vector.broadcast %shift_right_logical3A_457 : i32 to vector<16xi32>
        %shift_right_logical3A_459 = arith.shrui %get3A_456, %shift_right_logical3A_458 : vector<16xi32>
        %swap3A_460 = arith.constant 1 : i32
        %swap3A_461 = arith.index_cast %swap3A_460 : i32 to index
        %swap3A_462 = arith.constant 0 : index
        %swap3A_463 = tpu.vector_load %arg6[%swap3A_461, %swap3A_462] {strides = array<i32>} : memref<4x128xi32, #tpu.memory_space<vmem>>, vector<16xi32>,
        tpu.vector_store %arg6[%swap3A_461, %swap3A_462], %shift_right_logical3A_459 {strides = array<i32>} : memref<4x128xi32, #tpu.memory_space<vmem>>, vector<16xi32>,
        %get3A_464 = arith.index_cast %add3A_453 : i32 to index
        %get3A_465 = arith.constant 16 : index
        %get3A_466 = tpu.vector_load %arg5[%get3A_464, %get3A_465] {strides = array<i32>} : memref<200x128xi32, #tpu.memory_space<vmem>>, vector<16xi32>,
        %shift_right_logical3A_467 = arith.constant 1 : i32
        %shift_right_logical3A_468 = vector.broadcast %shift_right_logical3A_467 : i32 to vector<16xi32>
        %shift_right_logical3A_469 = arith.shrui %get3A_466, %shift_right_logical3A_468 : vector<16xi32>
        %swap3A_470 = arith.constant 1 : i32
        %swap3A_471 = arith.index_cast %swap3A_470 : i32 to index
        %swap3A_472 = arith.constant 16 : index
        %swap3A_473 = tpu.vector_load %arg6[%swap3A_471, %swap3A_472] {strides = array<i32>} : memref<4x128xi32, #tpu.memory_space<vmem>>, vector<16xi32>,
        tpu.vector_store %arg6[%swap3A_471, %swap3A_472], %shift_right_logical3A_469 {strides = array<i32>} : memref<4x128xi32, #tpu.memory_space<vmem>>, vector<16xi32>,
        %get3A_474 = arith.index_cast %add3A_453 : i32 to index
        %get3A_475 = arith.constant 32 : index
        %get3A_476 = tpu.vector_load %arg5[%get3A_474, %get3A_475] {strides = array<i32>} : memref<200x128xi32, #tpu.memory_space<vmem>>, vector<16xi32>,
        %shift_right_logical3A_477 = arith.constant 1 : i32
        %shift_right_logical3A_478 = vector.broadcast %shift_right_logical3A_477 : i32 to vector<16xi32>
        %shift_right_logical3A_479 = arith.shrui %get3A_476, %shift_right_logical3A_478 : vector<16xi32>
        %swap3A_480 = arith.constant 1 : i32
        %swap3A_481 = arith.index_cast %swap3A_480 : i32 to index
        %swap3A_482 = arith.constant 32 : index
        %swap3A_483 = tpu.vector_load %arg6[%swap3A_481, %swap3A_482] {strides = array<i32>} : memref<4x128xi32, #tpu.memory_space<vmem>>, vector<16xi32>,
        tpu.vector_store %arg6[%swap3A_481, %swap3A_482], %shift_right_logical3A_479 {strides = array<i32>} : memref<4x128xi32, #tpu.memory_space<vmem>>, vector<16xi32>,
        %get3A_484 = arith.index_cast %add3A_453 : i32 to index
        %get3A_485 = arith.constant 48 : index
        %get3A_486 = tpu.vector_load %arg5[%get3A_484, %get3A_485] {strides = array<i32>} : memref<200x128xi32, #tpu.memory_space<vmem>>, vector<16xi32>,
        %shift_right_logical3A_487 = arith.constant 1 : i32
        %shift_right_logical3A_488 = vector.broadcast %shift_right_logical3A_487 : i32 to vector<16xi32>
        %shift_right_logical3A_489 = arith.shrui %get3A_486, %shift_right_logical3A_488 : vector<16xi32>
        %swap3A_490 = arith.constant 1 : i32
        %swap3A_491 = arith.index_cast %swap3A_490 : i32 to index
        %swap3A_492 = arith.constant 48 : index
        %swap3A_493 = tpu.vector_load %arg6[%swap3A_491, %swap3A_492] {strides = array<i32>} : memref<4x128xi32, #tpu.memory_space<vmem>>, vector<16xi32>,
        tpu.vector_store %arg6[%swap3A_491, %swap3A_492], %shift_right_logical3A_489 {strides = array<i32>} : memref<4x128xi32, #tpu.memory_space<vmem>>, vector<16xi32>,
        %get3A_494 = arith.index_cast %add3A_453 : i32 to index
        %get3A_495 = arith.constant 64 : index
        %get3A_496 = tpu.vector_load %arg5[%get3A_494, %get3A_495] {strides = array<i32>} : memref<200x128xi32, #tpu.memory_space<vmem>>, vector<16xi32>,
        %shift_right_logical3A_497 = arith.constant 1 : i32
        %shift_right_logical3A_498 = vector.broadcast %shift_right_logical3A_497 : i32 to vector<16xi32>
        %shift_right_logical3A_499 = arith.shrui %get3A_496, %shift_right_logical3A_498 : vector<16xi32>
        %swap3A_500 = arith.constant 1 : i32
        %swap3A_501 = arith.index_cast %swap3A_500 : i32 to index
        %swap3A_502 = arith.constant 64 : index
        %swap3A_503 = tpu.vector_load %arg6[%swap3A_501, %swap3A_502] {strides = array<i32>} : memref<4x128xi32, #tpu.memory_space<vmem>>, vector<16xi32>,
        tpu.vector_store %arg6[%swap3A_501, %swap3A_502], %shift_right_logical3A_499 {strides = array<i32>} : memref<4x128xi32, #tpu.memory_space<vmem>>, vector<16xi32>,
        %get3A_504 = arith.index_cast %add3A_453 : i32 to index
        %get3A_505 = arith.constant 80 : index
        %get3A_506 = tpu.vector_load %arg5[%get3A_504, %get3A_505] {strides = array<i32>} : memref<200x128xi32, #tpu.memory_space<vmem>>, vector<16xi32>,
        %shift_right_logical3A_507 = arith.constant 1 : i32
        %shift_right_logical3A_508 = vector.broadcast %shift_right_logical3A_507 : i32 to vector<16xi32>
        %shift_right_logical3A_509 = arith.shrui %get3A_506, %shift_right_logical3A_508 : vector<16xi32>
        %swap3A_510 = arith.constant 1 : i32
        %swap3A_511 = arith.index_cast %swap3A_510 : i32 to index
        %swap3A_512 = arith.constant 80 : index
        %swap3A_513 = tpu.vector_load %arg6[%swap3A_511, %swap3A_512] {strides = array<i32>} : memref<4x128xi32, #tpu.memory_space<vmem>>, vector<16xi32>,
        tpu.vector_store %arg6[%swap3A_511, %swap3A_512], %shift_right_logical3A_509 {strides = array<i32>} : memref<4x128xi32, #tpu.memory_space<vmem>>, vector<16xi32>,
        %get3A_514 = arith.index_cast %add3A_453 : i32 to index
        %get3A_515 = arith.constant 96 : index
        %get3A_516 = tpu.vector_load %arg5[%get3A_514, %get3A_515] {strides = array<i32>} : memref<200x128xi32, #tpu.memory_space<vmem>>, vector<16xi32>,
        %shift_right_logical3A_517 = arith.constant 1 : i32
        %shift_right_logical3A_518 = vector.broadcast %shift_right_logical3A_517 : i32 to vector<16xi32>
        %shift_right_logical3A_519 = arith.shrui %get3A_516, %shift_right_logical3A_518 : vector<16xi32>
        %swap3A_520 = arith.constant 1 : i32
        %swap3A_521 = arith.index_cast %swap3A_520 : i32 to index
        %swap3A_522 = arith.constant 96 : index
        %swap3A_523 = tpu.vector_load %arg6[%swap3A_521, %swap3A_522] {strides = array<i32>} : memref<4x128xi32, #tpu.memory_space<vmem>>, vector<16xi32>,
        tpu.vector_store %arg6[%swap3A_521, %swap3A_522], %shift_right_logical3A_519 {strides = array<i32>} : memref<4x128xi32, #tpu.memory_space<vmem>>, vector<16xi32>,
        %get3A_524 = arith.index_cast %add3A_453 : i32 to index
        %get3A_525 = arith.constant 112 : index
        %get3A_526 = tpu.vector_load %arg5[%get3A_524, %get3A_525] {strides = array<i32>} : memref<200x128xi32, #tpu.memory_space<vmem>>, vector<16xi32>,
        %shift_right_logical3A_527 = arith.constant 1 : i32
        %shift_right_logical3A_528 = vector.broadcast %shift_right_logical3A_527 : i32 to vector<16xi32>
        %shift_right_logical3A_529 = arith.shrui %get3A_526, %shift_right_logical3A_528 : vector<16xi32>
        %swap3A_530 = arith.constant 1 : i32
        %swap3A_531 = arith.index_cast %swap3A_530 : i32 to index
        %swap3A_532 = arith.constant 112 : index
        %swap3A_533 = tpu.vector_load %arg6[%swap3A_531, %swap3A_532] {strides = array<i32>} : memref<4x128xi32, #tpu.memory_space<vmem>>, vector<16xi32>,
        tpu.vector_store %arg6[%swap3A_531, %swap3A_532], %shift_right_logical3A_529 {strides = array<i32>} : memref<4x128xi32, #tpu.memory_space<vmem>>, vector<16xi32>,
        %dma_start3A_534 = arith.constant 1 : i32
        %dma_start3A_535 = arith.constant 0 : i32
        %dma_start3A_536 = tpu.memref_slice %arg6[%dma_start3A_534, %dma_start3A_535] : memref<4x128xi32, #tpu.memory_space<vmem>> -> memref<1x128xi32, #tpu.memory_space<vmem>>
        %dma_start3A_537 = tpu.memref_squeeze %dma_start3A_536 : memref<1x128xi32, #tpu.memory_space<vmem>> -> memref<128xi32, #tpu.memory_space<vmem>>
        %dma_start3A_538 = arith.constant 0 : i32
        %dma_start3A_539 = arith.constant 0 : i32
        %dma_start3A_540 = tpu.memref_slice %arg3[%dma_start3A_538, %dma_start3A_539] : memref<500000x128xf32, #tpu.memory_space<hbm>> -> memref<500000x128xf32, #tpu.memory_space<hbm>>
        tpu.enqueue_indirect_dma source(%dma_start3A_540 : memref<500000x128xf32, #tpu.memory_space<hbm>>) target(%arg8 : memref<128x128xf32, #tpu.memory_space<vmem>>) offsets(%dma_start3A_537 : memref<128xi32, #tpu.memory_space<vmem>>) semaphore(%arg16 : memref<!tpu.dma_semaphore, #tpu.memory_space<semaphore_mem>>)
      } else {
      }
      %ge3A_402 = arith.constant 4 : i32
      %ge3A_403 = arith.cmpi sge, %add3A_387, %ge3A_402 : i32
      %convert_element_type3A_404 = arith.extui %ge3A_403 : i1 to i32
      %cond3A_405 = arith.constant 0 : i32
      %cond3A_406 = arith.cmpi ne, %convert_element_type3A_404, %cond3A_405 : i32
      scf.if %cond3A_406 {
        %sub3A = arith.constant 4 : i32
        %sub3A_452 = arith.subi %add3A_387, %sub3A : i32
        %dma_wait3A_453 = arith.constant 0 : i32
        %dma_wait3A_454 = tpu.memref_slice %arg4[%sub3A_452, %dma_wait3A_453, %multiple_of3A] : memref<200x64x4096xf32, #tpu.memory_space<hbm>> -> memref<1x64x128xf32, #tpu.memory_space<hbm>>
        %dma_wait3A_455 = tpu.memref_squeeze %dma_wait3A_454 : memref<1x64x128xf32, #tpu.memory_space<hbm>> -> memref<64x128xf32, #tpu.memory_space<hbm>>
        %dma_wait3A_456 = arith.constant 0 : i32
        %dma_wait3A_457 = tpu.memref_slice %arg4[%sub3A_452, %dma_wait3A_456, %multiple_of3A] : memref<200x64x4096xf32, #tpu.memory_space<hbm>> -> memref<1x64x128xf32, #tpu.memory_space<hbm>>
        %dma_wait3A_458 = tpu.memref_squeeze %dma_wait3A_457 : memref<1x64x128xf32, #tpu.memory_space<hbm>> -> memref<64x128xf32, #tpu.memory_space<hbm>>
        tpu.wait_dma2 semaphore(%arg21 : memref<!tpu.dma_semaphore, #tpu.memory_space<semaphore_mem>>) src(%arg13 : memref<64x128xf32, #tpu.memory_space<vmem>>) dst(%dma_wait3A_458 : memref<64x128xf32, #tpu.memory_space<hbm>>)
      } else {
      }
      %scan3A_407 = arith.constant 0 : i32
      %scan3A_408 = arith.constant 8 : i32
      %scan3A_409 = arith.addi %scan3A_407, %scan3A_408 : i32
      %scan3A_410 = arith.constant 1 : i32
      scf.for %scan3A_452 = %scan3A_407 to %scan3A_409 step %scan3A_410  : i32 {
        %mul3A_453 = arith.constant 1 : i32
        %mul3A_454 = arith.muli %scan3A_452, %mul3A_453 : i32
        %add3A_455 = arith.constant 0 : i32
        %add3A_456 = arith.addi %add3A_455, %mul3A_454 : i32
        %mul3A_457 = arith.constant 16 : i32
        %mul3A_458 = arith.muli %add3A_456, %mul3A_457 : i32
        %get3A_459 = arith.index_cast %add3A_387 : i32 to index
        %get3A_460 = arith.index_cast %mul3A_458 : i32 to index
        %get3A_461 = tpu.vector_load %arg5[%get3A_459, %get3A_460] {strides = array<i32>} : memref<200x128xi32, #tpu.memory_space<vmem>>, vector<16xi32>,
        %mul3A_462 = arith.constant 16 : i32
        %mul3A_463 = arith.muli %add3A_456, %mul3A_462 : i32
        %add3A_464 = vector.broadcast %mul3A_463 : i32 to vector<16xi32>
        %add3A_465 = arith.addi %add3A_464, %iota3A : vector<16xi32>
        %and3A = arith.constant 1 : i32
        %and3A_466 = vector.broadcast %and3A : i32 to vector<16xi32>
        %and3A_467 = arith.andi %get3A_461, %and3A_466 : vector<16xi32>
        %shift_left3A = arith.constant 6 : i32
        %shift_left3A_468 = vector.broadcast %shift_left3A : i32 to vector<16xi32>
        %shift_left3A_469 = arith.shli %and3A_467, %shift_left3A_468 : vector<16xi32>
        %parallel_loop3A = arith.constant 0 : i32
        %parallel_loop3A_470 = arith.constant 64 : i32
        %parallel_loop3A_471 = arith.constant 1 : i32
        scf.for %parallel_loop3A_472 = %parallel_loop3A to %parallel_loop3A_470 step %parallel_loop3A_471  : i32 {
          %parallel_loop3A_473 = vector.broadcast %parallel_loop3A_472 : i32 to vector<16xi32>
          %parallel_loop3A_474 = arith.addi %shift_left3A_469, %parallel_loop3A_473 : vector<16xi32>
          %parallel_loop3A_475 = tpu.vector_load_idx %arg9[%add3A_465, %parallel_loop3A_474] : memref<128x128xf32, #tpu.memory_space<vmem>>[vector<16xi32>, vector<16xi32>], vector<16xf32>,
          %parallel_loop3A_476 = arith.constant 8.000000e+00 : f32
          %parallel_loop3A_477 = vector.broadcast %parallel_loop3A_476 : f32 to vector<16xf32>
          %parallel_loop3A_478 = arith.mulf %parallel_loop3A_475, %parallel_loop3A_477 : vector<16xf32>
          %parallel_loop3A_479 = arith.constant 16 : i32
          %parallel_loop3A_480 = arith.muli %add3A_456, %parallel_loop3A_479 : i32
          %parallel_loop3A_481 = arith.index_cast %parallel_loop3A_472 : i32 to index
          %parallel_loop3A_482 = arith.index_cast %parallel_loop3A_480 : i32 to index
          %parallel_loop3A_483 = tpu.vector_load %arg13[%parallel_loop3A_481, %parallel_loop3A_482] {strides = array<i32>} : memref<64x128xf32, #tpu.memory_space<vmem>>, vector<16xf32>,
          tpu.vector_store %arg13[%parallel_loop3A_481, %parallel_loop3A_482], %parallel_loop3A_478 {strides = array<i32>} : memref<64x128xf32, #tpu.memory_space<vmem>>, vector<16xf32>,
        } {sc.loop_unroll_factor = 8 : i64, sc.parallel_access}
      }
      %scan3A_411 = arith.constant 8 : i32
      %dma_start3A_412 = arith.constant 0 : i32
      %dma_start3A_413 = tpu.memref_slice %arg4[%add3A_387, %dma_start3A_412, %multiple_of3A] : memref<200x64x4096xf32, #tpu.memory_space<hbm>> -> memref<1x64x128xf32, #tpu.memory_space<hbm>>
      %dma_start3A_414 = tpu.memref_squeeze %dma_start3A_413 : memref<1x64x128xf32, #tpu.memory_space<hbm>> -> memref<64x128xf32, #tpu.memory_space<hbm>>
      %dma_start3A_415 = arith.constant 0 : i32
      %dma_start3A_416 = tpu.memref_slice %arg4[%add3A_387, %dma_start3A_415, %multiple_of3A] : memref<200x64x4096xf32, #tpu.memory_space<hbm>> -> memref<1x64x128xf32, #tpu.memory_space<hbm>>
      %dma_start3A_417 = tpu.memref_squeeze %dma_start3A_416 : memref<1x64x128xf32, #tpu.memory_space<hbm>> -> memref<64x128xf32, #tpu.memory_space<hbm>>
      tpu.enqueue_dma source(%arg13 : memref<64x128xf32, #tpu.memory_space<vmem>>) target(%dma_start3A_417 : memref<64x128xf32, #tpu.memory_space<hbm>>) target_semaphore(%arg21 : memref<!tpu.dma_semaphore, #tpu.memory_space<semaphore_mem>>)
      %mul3A_418 = arith.constant 4 : i32
      %mul3A_419 = arith.muli %add3A_319, %mul3A_418 : i32
      %add3A_420 = arith.constant 3 : i32
      %add3A_421 = arith.addi %mul3A_419, %add3A_420 : i32
      %dma_wait3A_422 = arith.constant 3 : i32
      %dma_wait3A_423 = arith.constant 0 : i32
      %dma_wait3A_424 = tpu.memref_slice %arg6[%dma_wait3A_422, %dma_wait3A_423] : memref<4x128xi32, #tpu.memory_space<vmem>> -> memref<1x128xi32, #tpu.memory_space<vmem>>
      %dma_wait3A_425 = tpu.memref_squeeze %dma_wait3A_424 : memref<1x128xi32, #tpu.memory_space<vmem>> -> memref<128xi32, #tpu.memory_space<vmem>>
      %dma_wait3A_426 = arith.constant 0 : i32
      %dma_wait3A_427 = arith.constant 0 : i32
      %dma_wait3A_428 = tpu.memref_slice %arg3[%dma_wait3A_426, %dma_wait3A_427] : memref<500000x128xf32, #tpu.memory_space<hbm>> -> memref<500000x128xf32, #tpu.memory_space<hbm>>
      tpu.wait_indirect_dma semaphore(%arg18 : memref<!tpu.dma_semaphore, #tpu.memory_space<semaphore_mem>>) src(%dma_wait3A_428 : memref<500000x128xf32, #tpu.memory_space<hbm>>) dst(%arg10 : memref<128x128xf32, #tpu.memory_space<vmem>>)
      %add3A_429 = arith.constant 3 : i32
      %add3A_430 = arith.addi %add3A_421, %add3A_429 : i32
      %lt3A_431 = arith.constant 200 : i32
      %lt3A_432 = arith.cmpi slt, %add3A_430, %lt3A_431 : i32
      %convert_element_type3A_433 = arith.extui %lt3A_432 : i1 to i32
      %cond3A_434 = arith.constant 0 : i32
      %cond3A_435 = arith.cmpi ne, %convert_element_type3A_433, %cond3A_434 : i32
      scf.if %cond3A_435 {
        %add3A_452 = arith.constant 3 : i32
        %add3A_453 = arith.addi %add3A_421, %add3A_452 : i32
        %get3A_454 = arith.index_cast %add3A_453 : i32 to index
        %get3A_455 = arith.constant 0 : index
        %get3A_456 = tpu.vector_load %arg5[%get3A_454, %get3A_455] {strides = array<i32>} : memref<200x128xi32, #tpu.memory_space<vmem>>, vector<16xi32>,
        %shift_right_logical3A_457 = arith.constant 1 : i32
        %shift_right_logical3A_458 = vector.broadcast %shift_right_logical3A_457 : i32 to vector<16xi32>
        %shift_right_logical3A_459 = arith.shrui %get3A_456, %shift_right_logical3A_458 : vector<16xi32>
        %swap3A_460 = arith.constant 2 : i32
        %swap3A_461 = arith.index_cast %swap3A_460 : i32 to index
        %swap3A_462 = arith.constant 0 : index
        %swap3A_463 = tpu.vector_load %arg6[%swap3A_461, %swap3A_462] {strides = array<i32>} : memref<4x128xi32, #tpu.memory_space<vmem>>, vector<16xi32>,
        tpu.vector_store %arg6[%swap3A_461, %swap3A_462], %shift_right_logical3A_459 {strides = array<i32>} : memref<4x128xi32, #tpu.memory_space<vmem>>, vector<16xi32>,
        %get3A_464 = arith.index_cast %add3A_453 : i32 to index
        %get3A_465 = arith.constant 16 : index
        %get3A_466 = tpu.vector_load %arg5[%get3A_464, %get3A_465] {strides = array<i32>} : memref<200x128xi32, #tpu.memory_space<vmem>>, vector<16xi32>,
        %shift_right_logical3A_467 = arith.constant 1 : i32
        %shift_right_logical3A_468 = vector.broadcast %shift_right_logical3A_467 : i32 to vector<16xi32>
        %shift_right_logical3A_469 = arith.shrui %get3A_466, %shift_right_logical3A_468 : vector<16xi32>
        %swap3A_470 = arith.constant 2 : i32
        %swap3A_471 = arith.index_cast %swap3A_470 : i32 to index
        %swap3A_472 = arith.constant 16 : index
        %swap3A_473 = tpu.vector_load %arg6[%swap3A_471, %swap3A_472] {strides = array<i32>} : memref<4x128xi32, #tpu.memory_space<vmem>>, vector<16xi32>,
        tpu.vector_store %arg6[%swap3A_471, %swap3A_472], %shift_right_logical3A_469 {strides = array<i32>} : memref<4x128xi32, #tpu.memory_space<vmem>>, vector<16xi32>,
        %get3A_474 = arith.index_cast %add3A_453 : i32 to index
        %get3A_475 = arith.constant 32 : index
        %get3A_476 = tpu.vector_load %arg5[%get3A_474, %get3A_475] {strides = array<i32>} : memref<200x128xi32, #tpu.memory_space<vmem>>, vector<16xi32>,
        %shift_right_logical3A_477 = arith.constant 1 : i32
        %shift_right_logical3A_478 = vector.broadcast %shift_right_logical3A_477 : i32 to vector<16xi32>
        %shift_right_logical3A_479 = arith.shrui %get3A_476, %shift_right_logical3A_478 : vector<16xi32>
        %swap3A_480 = arith.constant 2 : i32
        %swap3A_481 = arith.index_cast %swap3A_480 : i32 to index
        %swap3A_482 = arith.constant 32 : index
        %swap3A_483 = tpu.vector_load %arg6[%swap3A_481, %swap3A_482] {strides = array<i32>} : memref<4x128xi32, #tpu.memory_space<vmem>>, vector<16xi32>,
        tpu.vector_store %arg6[%swap3A_481, %swap3A_482], %shift_right_logical3A_479 {strides = array<i32>} : memref<4x128xi32, #tpu.memory_space<vmem>>, vector<16xi32>,
        %get3A_484 = arith.index_cast %add3A_453 : i32 to index
        %get3A_485 = arith.constant 48 : index
        %get3A_486 = tpu.vector_load %arg5[%get3A_484, %get3A_485] {strides = array<i32>} : memref<200x128xi32, #tpu.memory_space<vmem>>, vector<16xi32>,
        %shift_right_logical3A_487 = arith.constant 1 : i32
        %shift_right_logical3A_488 = vector.broadcast %shift_right_logical3A_487 : i32 to vector<16xi32>
        %shift_right_logical3A_489 = arith.shrui %get3A_486, %shift_right_logical3A_488 : vector<16xi32>
        %swap3A_490 = arith.constant 2 : i32
        %swap3A_491 = arith.index_cast %swap3A_490 : i32 to index
        %swap3A_492 = arith.constant 48 : index
        %swap3A_493 = tpu.vector_load %arg6[%swap3A_491, %swap3A_492] {strides = array<i32>} : memref<4x128xi32, #tpu.memory_space<vmem>>, vector<16xi32>,
        tpu.vector_store %arg6[%swap3A_491, %swap3A_492], %shift_right_logical3A_489 {strides = array<i32>} : memref<4x128xi32, #tpu.memory_space<vmem>>, vector<16xi32>,
        %get3A_494 = arith.index_cast %add3A_453 : i32 to index
        %get3A_495 = arith.constant 64 : index
        %get3A_496 = tpu.vector_load %arg5[%get3A_494, %get3A_495] {strides = array<i32>} : memref<200x128xi32, #tpu.memory_space<vmem>>, vector<16xi32>,
        %shift_right_logical3A_497 = arith.constant 1 : i32
        %shift_right_logical3A_498 = vector.broadcast %shift_right_logical3A_497 : i32 to vector<16xi32>
        %shift_right_logical3A_499 = arith.shrui %get3A_496, %shift_right_logical3A_498 : vector<16xi32>
        %swap3A_500 = arith.constant 2 : i32
        %swap3A_501 = arith.index_cast %swap3A_500 : i32 to index
        %swap3A_502 = arith.constant 64 : index
        %swap3A_503 = tpu.vector_load %arg6[%swap3A_501, %swap3A_502] {strides = array<i32>} : memref<4x128xi32, #tpu.memory_space<vmem>>, vector<16xi32>,
        tpu.vector_store %arg6[%swap3A_501, %swap3A_502], %shift_right_logical3A_499 {strides = array<i32>} : memref<4x128xi32, #tpu.memory_space<vmem>>, vector<16xi32>,
        %get3A_504 = arith.index_cast %add3A_453 : i32 to index
        %get3A_505 = arith.constant 80 : index
        %get3A_506 = tpu.vector_load %arg5[%get3A_504, %get3A_505] {strides = array<i32>} : memref<200x128xi32, #tpu.memory_space<vmem>>, vector<16xi32>,
        %shift_right_logical3A_507 = arith.constant 1 : i32
        %shift_right_logical3A_508 = vector.broadcast %shift_right_logical3A_507 : i32 to vector<16xi32>
        %shift_right_logical3A_509 = arith.shrui %get3A_506, %shift_right_logical3A_508 : vector<16xi32>
        %swap3A_510 = arith.constant 2 : i32
        %swap3A_511 = arith.index_cast %swap3A_510 : i32 to index
        %swap3A_512 = arith.constant 80 : index
        %swap3A_513 = tpu.vector_load %arg6[%swap3A_511, %swap3A_512] {strides = array<i32>} : memref<4x128xi32, #tpu.memory_space<vmem>>, vector<16xi32>,
        tpu.vector_store %arg6[%swap3A_511, %swap3A_512], %shift_right_logical3A_509 {strides = array<i32>} : memref<4x128xi32, #tpu.memory_space<vmem>>, vector<16xi32>,
        %get3A_514 = arith.index_cast %add3A_453 : i32 to index
        %get3A_515 = arith.constant 96 : index
        %get3A_516 = tpu.vector_load %arg5[%get3A_514, %get3A_515] {strides = array<i32>} : memref<200x128xi32, #tpu.memory_space<vmem>>, vector<16xi32>,
        %shift_right_logical3A_517 = arith.constant 1 : i32
        %shift_right_logical3A_518 = vector.broadcast %shift_right_logical3A_517 : i32 to vector<16xi32>
        %shift_right_logical3A_519 = arith.shrui %get3A_516, %shift_right_logical3A_518 : vector<16xi32>
        %swap3A_520 = arith.constant 2 : i32
        %swap3A_521 = arith.index_cast %swap3A_520 : i32 to index
        %swap3A_522 = arith.constant 96 : index
        %swap3A_523 = tpu.vector_load %arg6[%swap3A_521, %swap3A_522] {strides = array<i32>} : memref<4x128xi32, #tpu.memory_space<vmem>>, vector<16xi32>,
        tpu.vector_store %arg6[%swap3A_521, %swap3A_522], %shift_right_logical3A_519 {strides = array<i32>} : memref<4x128xi32, #tpu.memory_space<vmem>>, vector<16xi32>,
        %get3A_524 = arith.index_cast %add3A_453 : i32 to index
        %get3A_525 = arith.constant 112 : index
        %get3A_526 = tpu.vector_load %arg5[%get3A_524, %get3A_525] {strides = array<i32>} : memref<200x128xi32, #tpu.memory_space<vmem>>, vector<16xi32>,
        %shift_right_logical3A_527 = arith.constant 1 : i32
        %shift_right_logical3A_528 = vector.broadcast %shift_right_logical3A_527 : i32 to vector<16xi32>
        %shift_right_logical3A_529 = arith.shrui %get3A_526, %shift_right_logical3A_528 : vector<16xi32>
        %swap3A_530 = arith.constant 2 : i32
        %swap3A_531 = arith.index_cast %swap3A_530 : i32 to index
        %swap3A_532 = arith.constant 112 : index
        %swap3A_533 = tpu.vector_load %arg6[%swap3A_531, %swap3A_532] {strides = array<i32>} : memref<4x128xi32, #tpu.memory_space<vmem>>, vector<16xi32>,
        tpu.vector_store %arg6[%swap3A_531, %swap3A_532], %shift_right_logical3A_529 {strides = array<i32>} : memref<4x128xi32, #tpu.memory_space<vmem>>, vector<16xi32>,
        %dma_start3A_534 = arith.constant 2 : i32
        %dma_start3A_535 = arith.constant 0 : i32
        %dma_start3A_536 = tpu.memref_slice %arg6[%dma_start3A_534, %dma_start3A_535] : memref<4x128xi32, #tpu.memory_space<vmem>> -> memref<1x128xi32, #tpu.memory_space<vmem>>
        %dma_start3A_537 = tpu.memref_squeeze %dma_start3A_536 : memref<1x128xi32, #tpu.memory_space<vmem>> -> memref<128xi32, #tpu.memory_space<vmem>>
        %dma_start3A_538 = arith.constant 0 : i32
        %dma_start3A_539 = arith.constant 0 : i32
        %dma_start3A_540 = tpu.memref_slice %arg3[%dma_start3A_538, %dma_start3A_539] : memref<500000x128xf32, #tpu.memory_space<hbm>> -> memref<500000x128xf32, #tpu.memory_space<hbm>>
        tpu.enqueue_indirect_dma source(%dma_start3A_540 : memref<500000x128xf32, #tpu.memory_space<hbm>>) target(%arg9 : memref<128x128xf32, #tpu.memory_space<vmem>>) offsets(%dma_start3A_537 : memref<128xi32, #tpu.memory_space<vmem>>) semaphore(%arg17 : memref<!tpu.dma_semaphore, #tpu.memory_space<semaphore_mem>>)
      } else {
      }
      %ge3A_436 = arith.constant 4 : i32
      %ge3A_437 = arith.cmpi sge, %add3A_421, %ge3A_436 : i32
      %convert_element_type3A_438 = arith.extui %ge3A_437 : i1 to i32
      %cond3A_439 = arith.constant 0 : i32
      %cond3A_440 = arith.cmpi ne, %convert_element_type3A_438, %cond3A_439 : i32
      scf.if %cond3A_440 {
        %sub3A = arith.constant 4 : i32
        %sub3A_452 = arith.subi %add3A_421, %sub3A : i32
        %dma_wait3A_453 = arith.constant 0 : i32
        %dma_wait3A_454 = tpu.memref_slice %arg4[%sub3A_452, %dma_wait3A_453, %multiple_of3A] : memref<200x64x4096xf32, #tpu.memory_space<hbm>> -> memref<1x64x128xf32, #tpu.memory_space<hbm>>
        %dma_wait3A_455 = tpu.memref_squeeze %dma_wait3A_454 : memref<1x64x128xf32, #tpu.memory_space<hbm>> -> memref<64x128xf32, #tpu.memory_space<hbm>>
        %dma_wait3A_456 = arith.constant 0 : i32
        %dma_wait3A_457 = tpu.memref_slice %arg4[%sub3A_452, %dma_wait3A_456, %multiple_of3A] : memref<200x64x4096xf32, #tpu.memory_space<hbm>> -> memref<1x64x128xf32, #tpu.memory_space<hbm>>
        %dma_wait3A_458 = tpu.memref_squeeze %dma_wait3A_457 : memref<1x64x128xf32, #tpu.memory_space<hbm>> -> memref<64x128xf32, #tpu.memory_space<hbm>>
        tpu.wait_dma2 semaphore(%arg22 : memref<!tpu.dma_semaphore, #tpu.memory_space<semaphore_mem>>) src(%arg14 : memref<64x128xf32, #tpu.memory_space<vmem>>) dst(%dma_wait3A_458 : memref<64x128xf32, #tpu.memory_space<hbm>>)
      } else {
      }
      %scan3A_441 = arith.constant 0 : i32
      %scan3A_442 = arith.constant 8 : i32
      %scan3A_443 = arith.addi %scan3A_441, %scan3A_442 : i32
      %scan3A_444 = arith.constant 1 : i32
      scf.for %scan3A_452 = %scan3A_441 to %scan3A_443 step %scan3A_444  : i32 {
        %mul3A_453 = arith.constant 1 : i32
        %mul3A_454 = arith.muli %scan3A_452, %mul3A_453 : i32
        %add3A_455 = arith.constant 0 : i32
        %add3A_456 = arith.addi %add3A_455, %mul3A_454 : i32
        %mul3A_457 = arith.constant 16 : i32
        %mul3A_458 = arith.muli %add3A_456, %mul3A_457 : i32
        %get3A_459 = arith.index_cast %add3A_421 : i32 to index
        %get3A_460 = arith.index_cast %mul3A_458 : i32 to index
        %get3A_461 = tpu.vector_load %arg5[%get3A_459, %get3A_460] {strides = array<i32>} : memref<200x128xi32, #tpu.memory_space<vmem>>, vector<16xi32>,
        %mul3A_462 = arith.constant 16 : i32
        %mul3A_463 = arith.muli %add3A_456, %mul3A_462 : i32
        %add3A_464 = vector.broadcast %mul3A_463 : i32 to vector<16xi32>
        %add3A_465 = arith.addi %add3A_464, %iota3A : vector<16xi32>
        %and3A = arith.constant 1 : i32
        %and3A_466 = vector.broadcast %and3A : i32 to vector<16xi32>
        %and3A_467 = arith.andi %get3A_461, %and3A_466 : vector<16xi32>
        %shift_left3A = arith.constant 6 : i32
        %shift_left3A_468 = vector.broadcast %shift_left3A : i32 to vector<16xi32>
        %shift_left3A_469 = arith.shli %and3A_467, %shift_left3A_468 : vector<16xi32>
        %parallel_loop3A = arith.constant 0 : i32
        %parallel_loop3A_470 = arith.constant 64 : i32
        %parallel_loop3A_471 = arith.constant 1 : i32
        scf.for %parallel_loop3A_472 = %parallel_loop3A to %parallel_loop3A_470 step %parallel_loop3A_471  : i32 {
          %parallel_loop3A_473 = vector.broadcast %parallel_loop3A_472 : i32 to vector<16xi32>
          %parallel_loop3A_474 = arith.addi %shift_left3A_469, %parallel_loop3A_473 : vector<16xi32>
          %parallel_loop3A_475 = tpu.vector_load_idx %arg10[%add3A_465, %parallel_loop3A_474] : memref<128x128xf32, #tpu.memory_space<vmem>>[vector<16xi32>, vector<16xi32>], vector<16xf32>,
          %parallel_loop3A_476 = arith.constant 8.000000e+00 : f32
          %parallel_loop3A_477 = vector.broadcast %parallel_loop3A_476 : f32 to vector<16xf32>
          %parallel_loop3A_478 = arith.mulf %parallel_loop3A_475, %parallel_loop3A_477 : vector<16xf32>
          %parallel_loop3A_479 = arith.constant 16 : i32
          %parallel_loop3A_480 = arith.muli %add3A_456, %parallel_loop3A_479 : i32
          %parallel_loop3A_481 = arith.index_cast %parallel_loop3A_472 : i32 to index
          %parallel_loop3A_482 = arith.index_cast %parallel_loop3A_480 : i32 to index
          %parallel_loop3A_483 = tpu.vector_load %arg14[%parallel_loop3A_481, %parallel_loop3A_482] {strides = array<i32>} : memref<64x128xf32, #tpu.memory_space<vmem>>, vector<16xf32>,
          tpu.vector_store %arg14[%parallel_loop3A_481, %parallel_loop3A_482], %parallel_loop3A_478 {strides = array<i32>} : memref<64x128xf32, #tpu.memory_space<vmem>>, vector<16xf32>,
        } {sc.loop_unroll_factor = 8 : i64, sc.parallel_access}
      }
      %scan3A_445 = arith.constant 8 : i32
      %dma_start3A_446 = arith.constant 0 : i32
      %dma_start3A_447 = tpu.memref_slice %arg4[%add3A_421, %dma_start3A_446, %multiple_of3A] : memref<200x64x4096xf32, #tpu.memory_space<hbm>> -> memref<1x64x128xf32, #tpu.memory_space<hbm>>
      %dma_start3A_448 = tpu.memref_squeeze %dma_start3A_447 : memref<1x64x128xf32, #tpu.memory_space<hbm>> -> memref<64x128xf32, #tpu.memory_space<hbm>>
      %dma_start3A_449 = arith.constant 0 : i32
      %dma_start3A_450 = tpu.memref_slice %arg4[%add3A_421, %dma_start3A_449, %multiple_of3A] : memref<200x64x4096xf32, #tpu.memory_space<hbm>> -> memref<1x64x128xf32, #tpu.memory_space<hbm>>
      %dma_start3A_451 = tpu.memref_squeeze %dma_start3A_450 : memref<1x64x128xf32, #tpu.memory_space<hbm>> -> memref<64x128xf32, #tpu.memory_space<hbm>>
      tpu.enqueue_dma source(%arg14 : memref<64x128xf32, #tpu.memory_space<vmem>>) target(%dma_start3A_451 : memref<64x128xf32, #tpu.memory_space<hbm>>) target_semaphore(%arg22 : memref<!tpu.dma_semaphore, #tpu.memory_space<semaphore_mem>>)
    }
    %scan3A_287 = arith.constant 50 : i32
    %dma_wait3A = arith.constant 196 : i32
    %dma_wait3A_288 = arith.constant 0 : i32
    %dma_wait3A_289 = tpu.memref_slice %arg4[%dma_wait3A, %dma_wait3A_288, %multiple_of3A] : memref<200x64x4096xf32, #tpu.memory_space<hbm>> -> memref<1x64x128xf32, #tpu.memory_space<hbm>>
    %dma_wait3A_290 = tpu.memref_squeeze %dma_wait3A_289 : memref<1x64x128xf32, #tpu.memory_space<hbm>> -> memref<64x128xf32, #tpu.memory_space<hbm>>
    %dma_wait3A_291 = arith.constant 0 : i32
    %dma_wait3A_292 = tpu.memref_slice %arg4[%dma_wait3A, %dma_wait3A_291, %multiple_of3A] : memref<200x64x4096xf32, #tpu.memory_space<hbm>> -> memref<1x64x128xf32, #tpu.memory_space<hbm>>
    %dma_wait3A_293 = tpu.memref_squeeze %dma_wait3A_292 : memref<1x64x128xf32, #tpu.memory_space<hbm>> -> memref<64x128xf32, #tpu.memory_space<hbm>>
    tpu.wait_dma2 semaphore(%arg19 : memref<!tpu.dma_semaphore, #tpu.memory_space<semaphore_mem>>) src(%arg11 : memref<64x128xf32, #tpu.memory_space<vmem>>) dst(%dma_wait3A_293 : memref<64x128xf32, #tpu.memory_space<hbm>>)
    %dma_wait3A_294 = arith.constant 197 : i32
    %dma_wait3A_295 = arith.constant 0 : i32
    %dma_wait3A_296 = tpu.memref_slice %arg4[%dma_wait3A_294, %dma_wait3A_295, %multiple_of3A] : memref<200x64x4096xf32, #tpu.memory_space<hbm>> -> memref<1x64x128xf32, #tpu.memory_space<hbm>>
    %dma_wait3A_297 = tpu.memref_squeeze %dma_wait3A_296 : memref<1x64x128xf32, #tpu.memory_space<hbm>> -> memref<64x128xf32, #tpu.memory_space<hbm>>
    %dma_wait3A_298 = arith.constant 0 : i32
    %dma_wait3A_299 = tpu.memref_slice %arg4[%dma_wait3A_294, %dma_wait3A_298, %multiple_of3A] : memref<200x64x4096xf32, #tpu.memory_space<hbm>> -> memref<1x64x128xf32, #tpu.memory_space<hbm>>
    %dma_wait3A_300 = tpu.memref_squeeze %dma_wait3A_299 : memref<1x64x128xf32, #tpu.memory_space<hbm>> -> memref<64x128xf32, #tpu.memory_space<hbm>>
    tpu.wait_dma2 semaphore(%arg20 : memref<!tpu.dma_semaphore, #tpu.memory_space<semaphore_mem>>) src(%arg12 : memref<64x128xf32, #tpu.memory_space<vmem>>) dst(%dma_wait3A_300 : memref<64x128xf32, #tpu.memory_space<hbm>>)
    %dma_wait3A_301 = arith.constant 198 : i32
    %dma_wait3A_302 = arith.constant 0 : i32
    %dma_wait3A_303 = tpu.memref_slice %arg4[%dma_wait3A_301, %dma_wait3A_302, %multiple_of3A] : memref<200x64x4096xf32, #tpu.memory_space<hbm>> -> memref<1x64x128xf32, #tpu.memory_space<hbm>>
    %dma_wait3A_304 = tpu.memref_squeeze %dma_wait3A_303 : memref<1x64x128xf32, #tpu.memory_space<hbm>> -> memref<64x128xf32, #tpu.memory_space<hbm>>
    %dma_wait3A_305 = arith.constant 0 : i32
    %dma_wait3A_306 = tpu.memref_slice %arg4[%dma_wait3A_301, %dma_wait3A_305, %multiple_of3A] : memref<200x64x4096xf32, #tpu.memory_space<hbm>> -> memref<1x64x128xf32, #tpu.memory_space<hbm>>
    %dma_wait3A_307 = tpu.memref_squeeze %dma_wait3A_306 : memref<1x64x128xf32, #tpu.memory_space<hbm>> -> memref<64x128xf32, #tpu.memory_space<hbm>>
    tpu.wait_dma2 semaphore(%arg21 : memref<!tpu.dma_semaphore, #tpu.memory_space<semaphore_mem>>) src(%arg13 : memref<64x128xf32, #tpu.memory_space<vmem>>) dst(%dma_wait3A_307 : memref<64x128xf32, #tpu.memory_space<hbm>>)
    %dma_wait3A_308 = arith.constant 199 : i32
    %dma_wait3A_309 = arith.constant 0 : i32
    %dma_wait3A_310 = tpu.memref_slice %arg4[%dma_wait3A_308, %dma_wait3A_309, %multiple_of3A] : memref<200x64x4096xf32, #tpu.memory_space<hbm>> -> memref<1x64x128xf32, #tpu.memory_space<hbm>>
    %dma_wait3A_311 = tpu.memref_squeeze %dma_wait3A_310 : memref<1x64x128xf32, #tpu.memory_space<hbm>> -> memref<64x128xf32, #tpu.memory_space<hbm>>
    %dma_wait3A_312 = arith.constant 0 : i32
    %dma_wait3A_313 = tpu.memref_slice %arg4[%dma_wait3A_308, %dma_wait3A_312, %multiple_of3A] : memref<200x64x4096xf32, #tpu.memory_space<hbm>> -> memref<1x64x128xf32, #tpu.memory_space<hbm>>
    %dma_wait3A_314 = tpu.memref_squeeze %dma_wait3A_313 : memref<1x64x128xf32, #tpu.memory_space<hbm>> -> memref<64x128xf32, #tpu.memory_space<hbm>>
    tpu.wait_dma2 semaphore(%arg22 : memref<!tpu.dma_semaphore, #tpu.memory_space<semaphore_mem>>) src(%arg14 : memref<64x128xf32, #tpu.memory_space<vmem>>) dst(%dma_wait3A_314 : memref<64x128xf32, #tpu.memory_space<hbm>>)
    return
  }
}

</mosaic_0001>

<sc_bundles>
// kernel: kernel.3.cloned.1.call-start
scs
__scs_entry_jumppad:
0x0: {  	(pc) =	sbr.rel $0x88, $3  }
0x1: {  	(tag) =	ssettag $0x0;
	lr =	simm.s32 $0x1  }
0x2: {  	[smem:$0x3F9F] =	sst lr;
	_ =	strace $0xD0000000  }
0x3: {  	_ = 	snop  }
0x4: {  	_ = 	snop  }
0x5: {  	_ = 	snop  }
0x6: {  	_ = 	snop  }
0x7: {  	_ = 	snop  }
__scs_overlays_trampoline_lowered:
0x8: {  	[smem:$0x3FAE] =	sst s0  }
0x9: {  	[smem:$0x3FAF] =	sst s1  }
0xa: {  	[smem:$0x3FB0] =	sst s2  }
0xb: {  	[smem:$0x3FB1] =	sst s3  }
0xc: {  	[smem:$0x3FB2] =	sst s4  }
0xd: {  	[smem:$0x3FB3] =	sst s5  }
0xe: {  	[smem:$0x3FB4] =	sst s6  }
0xf: {  	[smem:$0x3FB5] =	sst s7  }
0x10: {  	[smem:$0x3FB6] =	sst s8  }
0x11: {  	[smem:$0x3FB7] =	sst s9;
	s0 =	simm.s32 @!p0 $0x0  }
0x12: {  	s1 =	sld [smem:$0x3F9D];
	s0 =	simm.s32 @p0 $0x1  }
0x13: {  	[smem:$0x3FB8] =	sst s0;
	s0 =	simm.s32 @!p1 $0x0  }
0x14: {  	s2 =	sld [smem:$0x3F9C];
	s0 =	simm.s32 @p1 $0x1  }
0x15: {  	[smem:$0x3FB9] =	sst s0;
	s0 =	simm.s32 @!p2 $0x0  }
0x16: {  	s3 =	sld [smem:$0x3FDB];
	s0 =	simm.s32 @p2 $0x1  }
0x17: {  	s4 =	simm.s32 $0x1BF5;
	[smem:$0x3FBB] =	sst s0  }
0x18: {  	s0 =	sld [smem:$0x3F9E];
	_ =	swait.ge [sflag:s4], $0x0  }
0x19: {  	s7 =	sld [smem:$0x3F9F]  }
0x1a: {  	s8 =	sadd.s32 $0xFFFFE003, lr  }
0x1b: {  	s9 =	sadd.s32 $0xFFFFFEF7, lr;
	s5 =	simm.s32 $0xFFFFFFFF;
	p2 =	slt.u32 s8, $0xFFFFF086  }
0x1c: {  	p1 =	slt.u32 s9, $0xF7A;
	s5 =	simm.s32 @!p2 $0x0  }
0x1d: {  	s5 =	simm.s32 @p1 $0x1;
	p0 =	seq.s32 s7, s2  }
0x1e: {  	s7 =	smul.u32 @!p0 $0xF7A, s2;
	p2 =	seq.s32 @!p0 s5, $0x0  }
0x1f: {  	s9 =	smul.u32 $0xF7A, s1;
	s8 =	simm.s32 @!p0 $0x1BF5;
	p2 =	por !p2, p0  }
0x20: {  	[sflag:s8] =	ssyncset.s32 @!p0 $0xFFFFF086;
	s6 =	sadd.s32 @!p0 s3, s7;
	s7 =	simm.s32 @!p0 $0x108  }
0x21: {  	s3 =	sadd.s32 s3, s9;
	s6 =	sadd.s32 @!p0 $0x88, s6;
	s7 =	simm.s32 @p2 $0x1082  }
0x22: {  	[simem:s7], [sflag:s8] =	dma.local @!p0 [hbm:s6], $0xF7A  }
0x23: {  	s9 =	sor.u32 $0xD0000000, s2;
	s6 =	simm.s32 $0x108;
	_ =	swait.ge @!p0 [sflag:s8], $0x0  }
0x24: {  	s3 =	sadd.s32 $0x88, s3;
	s6 =	simm.s32 @!p1 $0x1082;
	[sflag:s4] =	ssyncset.s32 $0xFFFFF086  }
0x25: {  	[simem:s6], [sflag:s4] =	dma.local [hbm:s3], $0xF7A  }
0x26: {  	[smem:$0x3F9F] =	sst s1;
	(tag) =	ssettag s2;
	_ =	strace s9  }
0x27: {  	s1 =	sld [smem:$0x3FAF]  }
0x28: {  	s2 =	sld [smem:$0x3FB0]  }
0x29: {  	s4 =	sld [smem:$0x3FB2]  }
0x2a: {  	p0 =	seq.s32 s5, $0x0;
	s5 =	sld [smem:$0x3FB3]  }
0x2b: {  	s6 =	sld [smem:$0x3FB4]  }
0x2c: {  	s7 =	sld [smem:$0x3FB5]  }
0x2d: {  	s3 =	simm.s32 $0x108;
	s8 =	sld [smem:$0x3FB6]  }
0x2e: {  	s3 =	simm.s32 @!p0 $0x1082;
	s9 =	sld [smem:$0x3FB7]  }
0x2f: {  	lr =	sadd.s32 s0, s3;
	s0 =	sld [smem:$0x3FAE]  }
0x30: {  	s3 =	sld [smem:$0x3FB1]  }
0x31: {  	[smem:$0x3FBA] =	sst s10  }
0x32: {  	s10 =	sld [smem:$0x3FB8];
	_ =	sdelay $0x3  }
0x33: {  	p0 =	seq.s32 s10, $0x1;
	s10 =	sld [smem:$0x3FBA];
	_ =	sdelay $0x3  }
0x34: {  	[smem:$0x3FBA] =	sst s10  }
0x35: {  	s10 =	sld [smem:$0x3FB9];
	_ =	sdelay $0x3  }
0x36: {  	p1 =	seq.s32 s10, $0x1;
	s10 =	sld [smem:$0x3FBA];
	_ =	sdelay $0x3  }
0x37: {  	[smem:$0x3FBA] =	sst s10  }
0x38: {  	s10 =	sld [smem:$0x3FBB]  }
0x39: {  	_ = 	snop;
	(pc) =	sbr.ind lr, $3  }
0x3a: {  	_ = 	snop  }
0x3b: {  	_ = 	snop  }
0x3c: {  	p2 =	seq.s32 s10, $0x1;
	s10 =	sld [smem:$0x3FBA]  }
0x3d: {  	_ =	shalt  }
0x3e: {  	_ =	shalt  }
0x3f: {  	_ =	shalt  }
0x40: {  	_ =	shalt  }
0x41: {  	_ =	shalt  }
0x42: {  	_ =	shalt  }
0x43: {  	_ =	shalt  }
0x44: {  	_ =	shalt  }
0x45: {  	_ =	shalt  }
0x46: {  	_ =	shalt  }
0x47: {  	_ =	shalt  }
0x48: {  	_ =	shalt  }
0x49: {  	_ =	shalt  }
0x4a: {  	_ =	shalt  }
0x4b: {  	_ =	shalt  }
0x4c: {  	_ =	shalt  }
0x4d: {  	_ =	shalt  }
0x4e: {  	_ =	shalt  }
0x4f: {  	_ =	shalt  }
0x50: {  	_ =	shalt  }
0x51: {  	_ =	shalt  }
0x52: {  	_ =	shalt  }
0x53: {  	_ =	shalt  }
0x54: {  	_ =	shalt  }
0x55: {  	_ =	shalt  }
0x56: {  	_ =	shalt  }
0x57: {  	_ =	shalt  }
0x58: {  	_ =	shalt  }
0x59: {  	_ =	shalt  }
0x5a: {  	_ =	shalt  }
0x5b: {  	_ =	shalt  }
0x5c: {  	_ =	shalt  }
0x5d: {  	_ =	shalt  }
0x5e: {  	_ =	shalt  }
0x5f: {  	_ =	shalt  }
0x60: {  	_ =	shalt  }
0x61: {  	_ =	shalt  }
0x62: {  	_ =	shalt  }
0x63: {  	_ =	shalt  }
0x64: {  	_ =	shalt  }
0x65: {  	_ =	shalt  }
0x66: {  	_ =	shalt  }
0x67: {  	_ =	shalt  }
0x68: {  	_ =	shalt  }
0x69: {  	_ =	shalt  }
0x6a: {  	_ =	shalt  }
0x6b: {  	_ =	shalt  }
0x6c: {  	_ =	shalt  }
0x6d: {  	_ =	shalt  }
0x6e: {  	_ =	shalt  }
0x6f: {  	_ =	shalt  }
0x70: {  	_ =	shalt  }
0x71: {  	_ =	shalt  }
0x72: {  	_ =	shalt  }
0x73: {  	_ =	shalt  }
0x74: {  	_ =	shalt  }
0x75: {  	_ =	shalt  }
0x76: {  	_ =	shalt  }
0x77: {  	_ =	shalt  }
0x78: {  	_ =	shalt  }
0x79: {  	_ =	shalt  }
0x7a: {  	_ =	shalt  }
0x7b: {  	_ =	shalt  }
0x7c: {  	_ =	shalt  }
0x7d: {  	_ =	shalt  }
0x7e: {  	_ =	shalt  }
0x7f: {  	_ =	shalt  }
0x80: {  	_ =	shalt  }
0x81: {  	_ =	shalt  }
0x82: {  	_ =	shalt  }
0x83: {  	_ =	shalt  }
0x84: {  	_ =	shalt  }
0x85: {  	_ =	shalt  }
0x86: {  	_ =	shalt  }
0x87: {  	_ =	shalt  }
.Lfunc_end0:
.L_simem_size_0:
called_computation_lowered:
.L_overlay_start_0:
0x88: {  	s2 =	sld [smem:$0x3FD9]  }
0x89: {  	s3 =	sld [smem:$0x3FFE];
	_ =	sdelay $0x1  }
0x8a: {  	s1 =	srdreg.scid  }
0x8b: {  	s0 =	sand.u32 $0x1, s1  }
0x8c: {  	s17 =	sshll.u32 s0, $0xA;
	s2 =	sadd.s32 s3, s2  }
0x8d: {  	s2 =	sadd.s32 s2, s17  }
0x8e: {  	[smem:$0x3FC6] =	sst s2  }
0x8f: {  	_ = 	snop  }
0x90: {  	s2 =	sld [smem:$0x3FC9]  }
0x91: {  	s18 =	sld [smem:$0x3FD0];
	(tm) =	ssettm $0x1  }
0x92: {  	s4 =	sld [smem:$0x3FFB];
	_ =	sdelay $0x3  }
0x93: {  	_ =	strace s4  }
0x94: {  	s4 =	sld [smem:$0x3FFC];
	_ =	sdelay $0x3  }
0x95: {  	_ =	strace s4  }
0x96: {  	s4 =	sld [smem:$0x3FFD];
	_ =	sdelay $0x3  }
0x97: {  	_ =	strace s4  }
0x98: {  	_ =	strace $0x8FFFFFFF  }
0x99: {  	s19 =	sld [smem:$0x3FDB];
	_ =	sdelay $0x1  }
0x9a: {  	s5 =	simm.s32 $_scs_section_size  }
0x9b: {  	s6 =	simm.s32 $_size__tile_overlayer_lowered;
	s7 =	simm.s32 $_tile_overlayer_lowered  }
0x9c: {  	s22 =	simm.s32 $0x1BFF;
	s21 =	sshll.u32 s7, $0x1;
	s4 =	sadd.s32 s5, s19  }
0x9d: {  	s8 =	simm.s32 $0x0;
	s20 =	sshll.u32 s6, $0x1;
	s6 =	sadd.s32 s21, s4  }
0x9e: {  	[timem:s8], [sflag:s22] =	dma.local [hbm:s6], s20  }
0x9f: {  	_ =	swait.ge [sflag:s22], s20  }
0xa0: {  	s5 =	ssub.s32 $0x0, s20;
	[sflag:s22] =	ssyncset.done $0x0  }
0xa1: {  	[sflag:s22] =	ssyncadd.s32 s5;
	_ =	sdelay $0x1  }
0xa2: {  	s23 =	simm.s32 $0x1B8B  }
0xa3: {  	_ =	swait.ge [sflag:s23], $0x1  }
0xa4: {  	[sflag:s23] =	ssyncset.done $0x0  }
0xa5: {  	s25 =	simm.s32 $0x1B8E;
	s24 =	sld [smem:$0x3FFE];
	[sflag:s23] =	ssyncadd.s32 $0xFFFFFFFF  }
0xa6: {  	s26 =	simm.s32 $execute0_lowered;
	[smem:$0x3FD2] =	sst s25  }
0xa7: {  	s6 =	sshll.u32 s26, $0x1;
	_ =	strace $0x80000046;
	[dreg:$0x1] =	wrdreg $0xFFFFFFFF  }
0xa8: {  	s28 =	simm.s32 $_size_execute0_lowered;
	s4 =	sadd.s32 s4, s6;
	[dreg:$0x0] =	wrdreg $0x0  }
0xa9: {  	s6 =	sshll.u32 s28, $0x1;
	[dreg:$0x2] =	wrdreg s4  }
0xaa: {  	[dreg:$0x3] =	wrdreg s6  }
0xab: {  	[dreg:$0x4] =	wrdreg $0xC0  }
0xac: {  	_ =	task [dreg:s8], $0x5FFFF  }
0xad: {  	[dreg:$0x1] =	wrdreg $0xFFFFFFFF  }
0xae: {  	[dreg:$0x0] =	wrdreg $0x60  }
0xaf: {  	[dreg:$0x2] =	wrdreg s2  }
0xb0: {  	[dreg:$0x3] =	wrdreg s24  }
0xb1: {  	[dreg:$0x4] =	wrdreg s18  }
0xb2: {  	[dreg:$0x5] =	wrdreg $0x9  }
0xb3: {  	_ =	task.clear_ibuf [dreg:s8], $0x6FFFF;
	_ =	strace $0x90000046  }
0xb4: {  	s29 =	simm.s32 $0x9;
	_ =	strace $0x80000048  }
0xb5: {  	_ =	swait.ge [sflag:s29], $0x1  }
0xb6: {  	[sflag:s29] =	ssyncadd.s32 $0xFFFFFFFF  }
0xb7: {  	_ =	strace $0x90000048  }
0xb8: {  	_ =	sfence  }
0xb9: {  	s30 =	sld [smem:$0x0];
	_ =	sdelay $0x2  }
0xba: {  	s31 =	sshll.u32 s1, $0xD;
	s1 =	sshrl.u32 s1, $0x2  }
0xbb: {  	s3 =	sand.u32 $0x4000, s31;
	s1 =	sadd.s32 s1, s30  }
0xbc: {  	s0 =	sor.u32 s3, s0;
	s1 =	sshll.u32 s1, $0x11  }
0xbd: {  	s0 =	sor.u32 s1, s0  }
0xbe: {  	s0 =	sadd.s32 $0x8F2B, s0  }
0xbf: {  	[sflag:s0] =	ssyncadd.remote.s32 $0x1  }
0xc0: {  	_ =	sfence.sel $0xFFFF  }
0xc1: {  	[dreg:$0x0] =	wrdreg $0xFFFFFFFF;
	(pc) =	sbr.abs _section_cstart, $3  }
0xc2: {  	[dreg:$0x1] =	wrdreg $0xFFFFFFFF  }
0xc3: {  	_ =	task.clear_ibuf [dreg:s8], $0x2FFFF;
	_ =	strace $0x9FFFFFFF  }
0xc4: {  	(tm) =	ssettm $0x7FFFFFFF  }
0xc5: {  	_ =	shalt  }
tec
execute0_lowered:
.L_overlay_start_1:
0x0: {  	(tag) =	ssettag $0x1  }
0x1: {  	s0 =	rddreg [dreg:$0x0]  }
0x2: {  	s2 =	rddreg [dreg:$0x1]  }
0x3: {  	s1 =	rddreg [dreg:$0x2]  }
0x4: {  	s4 =	simm.s32 $0x0;
	s3 =	srdreg.scid;
	s26 =	stileid.u32  }
0x5: {  	s8 =	simm.s32 $0x400;
	s9 =	simm.s32 $0x8000;
	s11 =	simm.s32 $0x80  }
0x6: {  	s13 =	simm.s32 $0x6600;
	s15 =	simm.s32 $0xA600;
	s17 =	simm.s32 $0xE600  }
0x7: {  	s18 =	simm.s32 $0x1;
	s20 =	simm.s32 $0x12600;
	s22 =	simm.s32 $0x2  }
0x8: {  	s24 =	simm.s32 $0x3;
	[smem:$0x7FF] =	sst s4;
	s3 =	sand.u32 $0x1, s3  }
0x9: {  	s4 =	sshll.u32 s26, $0xA;
	s6 =	ssub.s32 $0x2, s3;
	s3 =	sshll.u32 s3, $0xE  }
0xa: {  	s30 =	simm.s32 $0x6;
	s31 =	simm.s32 $0x7;
	s4 =	sor.u32 s4, s3  }
0xb: {  	s5 =	sadd.s32 $0xF42800, s2;
	s7 =	sshrl.u32 s6, $0x1;
	s3 =	sshrl.u32 s4, $0x3  }
0xc: {  	s26 =	simm.s32 $0x4;
	s28 =	ssub.s32 s6, s7;
	s0 =	sadd.s32 s0, s3  }
0xd: {  	v0 =	vlaneseq.u32;
	_ =	strace $0x80000047;
	s29 =	smax.u32 s28, $0x1;
	[dreg:$0x4] =	wrdreg s0  }
0xe: {  	v0 =	vmul.u32 $0x80, v0;
	s3 =	simm.s32 $0x0;
	[dreg:$0x5] =	wrdreg s29;
	s0 =	simm.s32 $0x8  }
.LBB2_1:
0xf: {  	[dreg:$0x6] =	wrdreg s3  }
0x10: {  	s2 =	simm.s32 $0x0;
	s21 =	rddreg [dreg:$0x4];
	s23 =	simm.s32 $0x9  }
0x11: {  	[tilespmem:s2], [sflag:$0x9] =	stream.strided.gather [hbm4b:s21+s8], $0x6400, s9, s8, $0x38;
	[tilespmem:$0x1E600] =	vst v63  }
0x12: {  	_ =	swait.ge [sflag:s23], $0x6400  }
0x13: {  	[sflag:s23] =	ssyncset.done $0x0  }
0x14: {  	[sflag:s23] =	ssyncadd.s32 $0xFFFF9C00  }
0x15: {  	v1 =	vld [tilespmem:$0x0]  }
0x16: {  	v2 =	vld [tilespmem:$0x10]  }
0x17: {  	v3 =	vld [tilespmem:$0x20]  }
0x18: {  	v4 =	vld [tilespmem:$0x30]  }
0x19: {  	v5 =	vld [tilespmem:$0x40]  }
0x1a: {  	v6 =	vld [tilespmem:$0x50];
	v1 =	vshrl.u32 v1, $0x1  }
0x1b: {  	[tilespmem:$0x6400] =	vst v1;
	v1 =	vshrl.u32 v2, $0x1;
	v2 =	vld [tilespmem:$0x60]  }
0x1c: {  	[tilespmem:$0x6410] =	vst v1;
	v1 =	vshrl.u32 v3, $0x1;
	v3 =	vld [tilespmem:$0x70]  }
0x1d: {  	[tilespmem:$0x6420] =	vst v1;
	v1 =	vshrl.u32 v4, $0x1  }
0x1e: {  	[tilespmem:$0x6430] =	vst v1;
	v1 =	vshrl.u32 v5, $0x1  }
0x1f: {  	[tilespmem:$0x6440] =	vst v1;
	v1 =	vshrl.u32 v6, $0x1  }
0x20: {  	[tilespmem:$0x6450] =	vst v1;
	v1 =	vshrl.u32 v2, $0x1  }
0x21: {  	[tilespmem:$0x6460] =	vst v1;
	v1 =	vshrl.u32 v3, $0x1  }
0x22: {  	s25 =	simm.s32 $0x6400;
	[tilespmem:$0x6470] =	vst v1  }
0x23: {  	[tilespmem:s13], [sflag:$0x1] =	stream.indirect.gather [hbm4b:s5+s11], $0x80, s25, s11, $0xb8;
	[tilespmem:$0x1E600] =	vst v63  }
0x24: {  	v1 =	vld [tilespmem:$0x80]  }
0x25: {  	v2 =	vld [tilespmem:$0x90]  }
0x26: {  	v3 =	vld [tilespmem:$0xA0]  }
0x27: {  	v58 =	vld [tilespmem:$0xB0]  }
0x28: {  	v59 =	vld [tilespmem:$0xC0]  }
0x29: {  	v60 =	vld [tilespmem:$0xD0];
	v1 =	vshrl.u32 v1, $0x1  }
0x2a: {  	[tilespmem:$0x6480] =	vst v1;
	v1 =	vshrl.u32 v2, $0x1;
	v2 =	vld [tilespmem:$0xE0]  }
0x2b: {  	[tilespmem:$0x6490] =	vst v1;
	v1 =	vshrl.u32 v3, $0x1;
	v3 =	vld [tilespmem:$0xF0]  }
0x2c: {  	[tilespmem:$0x64A0] =	vst v1;
	v1 =	vshrl.u32 v58, $0x1  }
0x2d: {  	[tilespmem:$0x64B0] =	vst v1;
	v1 =	vshrl.u32 v59, $0x1  }
0x2e: {  	[tilespmem:$0x64C0] =	vst v1;
	v1 =	vshrl.u32 v60, $0x1  }
0x2f: {  	[tilespmem:$0x64D0] =	vst v1;
	v1 =	vshrl.u32 v2, $0x1  }
0x30: {  	[tilespmem:$0x64E0] =	vst v1;
	v1 =	vshrl.u32 v3, $0x1  }
0x31: {  	s28 =	simm.s32 $0x6480;
	[tilespmem:$0x64F0] =	vst v1  }
0x32: {  	[tilespmem:s15], [sflag:$0x2] =	stream.indirect.gather [hbm4b:s5+s11], $0x80, s28, s11, $0xb8;
	[tilespmem:$0x1E600] =	vst v63  }
0x33: {  	v1 =	vld [tilespmem:$0x100]  }
0x34: {  	v2 =	vld [tilespmem:$0x110]  }
0x35: {  	v3 =	vld [tilespmem:$0x120]  }
0x36: {  	v61 =	vld [tilespmem:$0x130]  }
0x37: {  	v62 =	vld [tilespmem:$0x140]  }
0x38: {  	v63 =	vld [tilespmem:$0x150];
	v1 =	vshrl.u32 v1, $0x1  }
0x39: {  	[tilespmem:$0x6500] =	vst v1;
	v1 =	vshrl.u32 v2, $0x1;
	v2 =	vld [tilespmem:$0x160]  }
0x3a: {  	[tilespmem:$0x6510] =	vst v1;
	v1 =	vshrl.u32 v3, $0x1;
	v3 =	vld [tilespmem:$0x170]  }
0x3b: {  	[tilespmem:$0x6520] =	vst v1;
	v1 =	vshrl.u32 v61, $0x1  }
0x3c: {  	[tilespmem:$0x6530] =	vst v1;
	v1 =	vshrl.u32 v62, $0x1  }
0x3d: {  	[tilespmem:$0x6540] =	vst v1;
	v1 =	vshrl.u32 v63, $0x1  }
0x3e: {  	[tilespmem:$0x6550] =	vst v1;
	v1 =	vshrl.u32 v2, $0x1  }
0x3f: {  	[tilespmem:$0x6560] =	vst v1;
	v1 =	vshrl.u32 v3, $0x1  }
0x40: {  	s29 =	simm.s32 $0x6500;
	s12 =	simm.s32 $0x0;
	[tilespmem:$0x6570] =	vst v1  }
0x41: {  	[tilespmem:s17], [sflag:$0x3] =	stream.indirect.gather [hbm4b:s5+s11], $0x80, s29, s11, $0xb8;
	[tilespmem:$0x1E600] =	vst v63  }
.LBB2_2:
0x42: {  	_ =	swait.ge [sflag:s18], $0x4000;
	s14 =	sshllo.u32 s12, $0x2  }
0x43: {  	[sflag:s18] =	ssyncset.done $0x0;
	s2 =	sshll.u32 s14, $0x7  }
0x44: {  	[sflag:s18] =	ssyncadd.s32 $0xFFFFC000;
	s16 =	sand.u32 $0x3FFFFF80, s2  }
0x45: {  	v1 =	vld [tilespmem:s16+$0x0];
	_ =	sdelay $0x4  }
0x46: {  	v1 =	vshrl.u32 v1, $0x1  }
0x47: {  	[tilespmem:$0x6580] =	vst v1  }
0x48: {  	v1 =	vld [tilespmem:s16+$0x10];
	_ =	sdelay $0x4  }
0x49: {  	v1 =	vshrl.u32 v1, $0x1  }
0x4a: {  	[tilespmem:$0x6590] =	vst v1  }
0x4b: {  	v1 =	vld [tilespmem:s16+$0x20];
	_ =	sdelay $0x4  }
0x4c: {  	v1 =	vshrl.u32 v1, $0x1  }
0x4d: {  	[tilespmem:$0x65A0] =	vst v1  }
0x4e: {  	v1 =	vld [tilespmem:s16+$0x30];
	_ =	sdelay $0x4  }
0x4f: {  	v1 =	vshrl.u32 v1, $0x1  }
0x50: {  	[tilespmem:$0x65B0] =	vst v1  }
0x51: {  	v1 =	vld [tilespmem:s16+$0x40];
	_ =	sdelay $0x4  }
0x52: {  	v1 =	vshrl.u32 v1, $0x1  }
0x53: {  	[tilespmem:$0x65C0] =	vst v1  }
0x54: {  	v1 =	vld [tilespmem:s16+$0x50];
	_ =	sdelay $0x4  }
0x55: {  	v1 =	vshrl.u32 v1, $0x1  }
0x56: {  	[tilespmem:$0x65D0] =	vst v1  }
0x57: {  	v1 =	vld [tilespmem:s16+$0x60];
	_ =	sdelay $0x4  }
0x58: {  	v1 =	vshrl.u32 v1, $0x1  }
0x59: {  	[tilespmem:$0x65E0] =	vst v1  }
0x5a: {  	v1 =	vld [tilespmem:s16+$0x70];
	_ =	sdelay $0x4  }
0x5b: {  	p0 =	seq.s32 s12, $0x0;
	v1 =	vshrl.u32 v1, $0x1  }
0x5c: {  	s28 =	simm.s32 $0x6580;
	s2 =	simm.s32 @!p0 $0x5;
	[tilespmem:$0x65F0] =	vst v1  }
0x5d: {  	[tilespmem:s20], [sflag:$0x4] =	stream.indirect.gather [hbm4b:s5+s11], $0x80, s28, s11, $0xb8;
	[tilespmem:$0x1E600] =	vst v63  }
0x5e: {  	s3 =	sshll.u32 s12, $0x9;
	s6 =	sshll.u32 s12, $0x2;
	_ =	swait.ge @!p0 [sflag:s2], $0x2000  }
0x5f: {  	s7 =	simm.s32 $0x0;
	s3 =	sand.u32 $0x3FFFFE00, s3;
	[sflag:s2] =	ssyncset.done @!p0 $0x0  }
0x60: {  	s10 =	simm.s32 $0x16800;
	s29 =	simm.s32 $0x0;
	v1 =	vmov s3;
	[sflag:s2] =	ssyncadd.s32 @!p0 $0xFFFFE000  }
.LBB2_3:
0x61: {  	_ =	sdelay $0x2  }
0x62: {  	s2 =	sshll.u32 s29, $0x4  }
0x63: {  	v2 =	vld.idx.msk [tilespmem:v1+s2+$0x0 ss:$0x1], $0xffff;
	_ =	sdelay $0x3  }
0x64: {  	v3 =	vmov s2  }
0x65: {  	v3 =	vshll.u32 v3, $0x7;
	v2 =	vshll.u32 v2, $0x6  }
0x66: {  	v3 =	vor.u32 v0, v3;
	v2 =	vand.u32 $0x40, v2  }
0x67: {  	s21 =	simm.s32 $0x7;
	v2 =	vor.u32 v3, v2  }
0x68: {  	s19 =	simm.s32 $0x1;
	v3 =	vor.u32 s21, v2  }
0x69: {  	s23 =	simm.s32 $0x2;
	v4 =	vor.u32 s19, v2  }
0x6a: {  	s25 =	simm.s32 $0x3;
	v5 =	vor.u32 s23, v2  }
0x6b: {  	s28 =	simm.s32 $0x4;
	v6 =	vor.u32 s25, v2  }
0x6c: {  	v7 =	vor.u32 s28, v2;
	s19 =	simm.s32 $0x5  }
0x6d: {  	s23 =	simm.s32 $0xF;
	v8 =	vor.u32 s19, v2;
	v9 =	vld.idx.msk [tilespmem:v3+s13+$0x0], $0xffff  }
0x6e: {  	s21 =	simm.s32 $0x6;
	v11 =	vor.u32 s23, v2;
	v10 =	vld.idx.msk [tilespmem:v4+s13+$0x0], $0xffff  }
0x6f: {  	v3 =	vor.u32 s21, v2;
	v5 =	vld.idx.msk [tilespmem:v5+s13+$0x0], $0xffff  }
0x70: {  	s25 =	simm.s32 $0x9;
	v4 =	vor.u32 s7, v2;
	v14 =	vld.idx.msk [tilespmem:v6+s13+$0x0], $0xffff  }
0x71: {  	s28 =	simm.s32 $0xA;
	v15 =	vor.u32 s25, v2;
	v16 =	vld.idx.msk [tilespmem:v7+s13+$0x0], $0xffff  }
0x72: {  	s19 =	simm.s32 $0xB;
	v7 =	vor.u32 s28, v2;
	v8 =	vld.idx.msk [tilespmem:v8+s13+$0x0], $0xffff  }
0x73: {  	v13 =	vor.u32 s19, v2;
	s21 =	simm.s32 $0xC;
	v6 =	vld.idx.msk [tilespmem:v11+s13+$0x0], $0xffff;
	v12 =	vmul.f32 $8.000000000e+00, v9  }
0x74: {  	s23 =	simm.s32 $0xD;
	v3 =	vld.idx.msk [tilespmem:v3+s13+$0x0], $0xffff;
	v10 =	vmul.f32 $8.000000000e+00, v10;
	v9 =	vor.u32 s21, v2  }
0x75: {  	s28 =	simm.s32 $0xE;
	v4 =	vld.idx.msk [tilespmem:v4+s13+$0x0], $0xffff;
	v17 =	vmul.f32 $8.000000000e+00, v5;
	[tilespmem:s10+$0x180] =	vst v12;
	v12 =	vor.u32 s23, v2  }
0x76: {  	s2 =	simm.s32 $0x10;
	s25 =	simm.s32 $0x8;
	v11 =	vor.u32 s28, v2;
	v5 =	vld.idx.msk [tilespmem:v15+s13+$0x0], $0xffff;
	v14 =	vmul.f32 $8.000000000e+00, v14;
	[tilespmem:s10+$0xFFFFFE80] =	vst v10  }
0x77: {  	s19 =	smov.u32 s10;
	s21 =	simm.s32 $0x18;
	v7 =	vld.idx.msk [tilespmem:v7+s13+$0x0], $0xffff;
	v15 =	vmul.f32 $8.000000000e+00, v16;
	s23 =	simm.s32 $0x17;
	v10 =	vor.u32 s25, v2;
	[tilespmem:s10+$0xFFFFFF00] =	vst v17  }
.LBB2_4:
0x78: {  	p0 =	slt.u32 s21, $0x38;
	s25 =	sadd.s32 $0x1, s2;
	v16 =	vor.u32 s23, v2;
	v17 =	vld.idx.msk [tilespmem:v13+s13+$0x0], $0xffff;
	[tilespmem:s19+$0xFFFFFF80] =	vst v14;
	v13 =	vmul.f32 $8.000000000e+00, v8  }
0x79: {  	s23 =	sadd.s32 $0x2, s2;
	v14 =	vor.u32 s25, v2;
	v18 =	vld.idx.msk [tilespmem:v9+s13+$0x0], $0xffff;
	[tilespmem:s19+$0x0] =	vst v15;
	v9 =	vmul.f32 $8.000000000e+00, v3  }
0x7a: {  	v15 =	vor.u32 s23, v2;
	s23 =	sadd.s32 $0x3, s2;
	v8 =	vld.idx.msk [tilespmem:v12+s13+$0x0], $0xffff;
	v12 =	vmul.f32 $8.000000000e+00, v4;
	[tilespmem:s19+$0x80] =	vst v13  }
.Ltmp0:
0x7b: {  	v13 =	vor.u32 s23, v2;
	s23 =	sadd.s32 $0x4, s2;
	v3 =	vld.idx.msk [tilespmem:v11+s13+$0x0], $0xffff;
	v11 =	vmul.f32 $8.000000000e+00, v6;
	[tilespmem:s19+$0x100] =	vst v9;
	(pc) =	sbr.rel @p0 .LBB2_4-.Ltmp0, $4  }
0x7c: {  	v9 =	vor.u32 s23, v2;
	s23 =	sadd.s32 $0x5, s2;
	v4 =	vld.idx.msk [tilespmem:v10+s13+$0x0], $0xffff;
	v10 =	vmul.f32 $8.000000000e+00, v5;
	[tilespmem:s19+$0xFFFFFE00] =	vst v12;
	s19 =	sadd.s32 $0x400, s19  }
0x7d: {  	v12 =	vor.u32 s23, v2;
	s23 =	sadd.s32 $0x6, s2;
	v6 =	vld.idx.msk [tilespmem:v16+s13+$0x0], $0xffff;
	v16 =	vmul.f32 $8.000000000e+00, v7;
	[tilespmem:s19+$0x180] =	vst v11  }
0x7e: {  	v11 =	vor.u32 s23, v2;
	v5 =	vld.idx.msk [tilespmem:v14+s13+$0x0], $0xffff;
	[tilespmem:s19+$0xFFFFFE80] =	vst v10;
	v14 =	vmul.f32 $8.000000000e+00, v17  }
0x7f: {  	s23 =	sadd.s32 $0x7, s21;
	v10 =	vor.u32 s2, v2;
	s2 =	smov.u32 s21;
	s21 =	sadd.s32 $0x8, s21;
	v7 =	vld.idx.msk [tilespmem:v15+s13+$0x0], $0xffff;
	[tilespmem:s19+$0xFFFFFF00] =	vst v16;
	v15 =	vmul.f32 $8.000000000e+00, v18  }
0x80: {  	_ =	sdelay $0x2  }
0x81: {  	[tilespmem:s19+$0xFFFFFF80] =	vst v14;
	v8 =	vmul.f32 $8.000000000e+00, v8  }
0x82: {  	s21 =	sadd.s32 $0x1, s2;
	v47 =	vor.u32 s23, v2;
	v13 =	vld.idx.msk [tilespmem:v13+s13+$0x0], $0xffff;
	v3 =	vmul.f32 $8.000000000e+00, v3;
	[tilespmem:s19+$0x0] =	vst v15  }
0x83: {  	s28 =	sadd.s32 $0x2, s2;
	v9 =	vld.idx.msk [tilespmem:v9+s13+$0x0], $0xffff;
	v48 =	vor.u32 s21, v2;
	v4 =	vmul.f32 $8.000000000e+00, v4;
	[tilespmem:s19+$0x80] =	vst v8  }
0x84: {  	v12 =	vld.idx.msk [tilespmem:v12+s13+$0x0], $0xffff;
	s25 =	sadd.s32 $0x4, s2;
	v49 =	vor.u32 s28, v2;
	v6 =	vmul.f32 $8.000000000e+00, v6;
	[tilespmem:s19+$0x100] =	vst v3  }
0x85: {  	s23 =	sadd.s32 $0x3, s2;
	v11 =	vld.idx.msk [tilespmem:v11+s13+$0x0], $0xffff;
	s28 =	sadd.s32 $0x400, s19;
	v50 =	vor.u32 s25, v2;
	v5 =	vmul.f32 $8.000000000e+00, v5;
	[tilespmem:s19+$0xFFFFFE00] =	vst v4  }
0x86: {  	v10 =	vld.idx.msk [tilespmem:v10+s13+$0x0], $0xffff;
	s25 =	sadd.s32 $0x6, s2;
	v3 =	vor.u32 s23, v2;
	v7 =	vmul.f32 $8.000000000e+00, v7;
	[tilespmem:s28+$0x180] =	vst v6  }
0x87: {  	s23 =	sadd.s32 $0x5, s2;
	v54 =	vor.u32 s25, v2;
	v14 =	vld.idx.msk [tilespmem:v47+s13+$0x0], $0xffff;
	[tilespmem:s28+$0xFFFFFE80] =	vst v5;
	v52 =	vmul.f32 $8.000000000e+00, v13  }
0x88: {  	v51 =	vor.u32 s23, v2;
	v2 =	vor.u32 s2, v2;
	v55 =	vmul.f32 $8.000000000e+00, v9;
	v53 =	vld.idx.msk [tilespmem:v48+s13+$0x0], $0xffff;
	[tilespmem:s28+$0xFFFFFF00] =	vst v7  }
0x89: {  	v56 =	vmul.f32 $8.000000000e+00, v12;
	v8 =	vld.idx.msk [tilespmem:v49+s13+$0x0], $0xffff;
	[tilespmem:s28+$0xFFFFFF80] =	vst v52  }
0x8a: {  	v57 =	vmul.f32 $8.000000000e+00, v11;
	v4 =	vld.idx.msk [tilespmem:v50+s13+$0x0], $0xffff;
	[tilespmem:s28+$0x0] =	vst v55  }
0x8b: {  	v58 =	vmul.f32 $8.000000000e+00, v10;
	v3 =	vld.idx.msk [tilespmem:v3+s13+$0x0], $0xffff;
	[tilespmem:s28+$0x80] =	vst v56  }
0x8c: {  	[tilespmem:s28+$0x100] =	vst v57;
	v61 =	vld.idx.msk [tilespmem:v54+s13+$0x0], $0xffff;
	v60 =	vmul.f32 $8.000000000e+00, v14  }
0x8d: {  	[tilespmem:s28+$0xFFFFFE00] =	vst v58;
	s28 =	sadd.s32 $0x400, s28;
	v2 =	vld.idx.msk [tilespmem:v2+s13+$0x0], $0xffff;
	v62 =	vmul.f32 $8.000000000e+00, v53  }
0x8e: {  	v59 =	vld.idx.msk [tilespmem:v51+s13+$0x0], $0xffff;
	v8 =	vmul.f32 $8.000000000e+00, v8;
	[tilespmem:s28+$0x180] =	vst v60  }
0x8f: {  	s29 =	sadd.s32 $0x1, s29;
	v4 =	vmul.f32 $8.000000000e+00, v4;
	[tilespmem:s28+$0xFFFFFE80] =	vst v62  }
0x90: {  	p0 =	sne.s32 s29, $0x8;
	v3 =	vmul.f32 $8.000000000e+00, v3;
	[tilespmem:s28+$0xFFFFFF00] =	vst v8  }
.Ltmp1:
0x91: {  	v63 =	vmul.f32 $8.000000000e+00, v61;
	[tilespmem:s28+$0x0] =	vst v4;
	(pc) =	sbr.rel @p0 .LBB2_3-.Ltmp1, $4  }
0x92: {  	v2 =	vmul.f32 $8.000000000e+00, v2;
	[tilespmem:s28+$0xFFFFFF80] =	vst v3  }
0x93: {  	v3 =	vmul.f32 $8.000000000e+00, v59;
	[tilespmem:s28+$0x100] =	vst v63  }
0x94: {  	[tilespmem:s28+$0xFFFFFE00] =	vst v2  }
0x95: {  	s10 =	sadd.s32 $0x10, s10;
	[tilespmem:s28+$0x80] =	vst v3  }
0x96: {  	s2 =	sshll.u32 s12, $0x14  }
0x97: {  	s2 =	sor.u32 s4, s2  }
0x98: {  	s2 =	sshrl.u32 s2, $0x3  }
0x99: {  	s7 =	simm.s32 $0x16600;
	s2 =	sadd.s32 s1, s2  }
0x9a: {  	[hbm4b:s2+s8] =	stream.strided.scatter [tilespmem:s7], [sflag:$0x5], $0x2000, s9, s8, $0x38;
	[tilespmem:$0x1E600] =	vst v63  }
0x9b: {  	_ =	swait.ge [sflag:s22], $0x4000  }
0x9c: {  	[sflag:s22] =	ssyncset.done $0x0  }
0x9d: {  	p0 =	seq.s32 s12, $0x31;
	[sflag:s22] =	ssyncadd.s32 $0xFFFFC000  }
0x9e: {  	v1 =	vld @!p0 [tilespmem:s3+$0x200];
	_ =	sdelay $0x4  }
0x9f: {  	v1 =	vshrl.u32 @!p0 v1, $0x1  }
0xa0: {  	[tilespmem:$0x6400] =	vst @!p0 v1  }
0xa1: {  	v1 =	vld @!p0 [tilespmem:s3+$0x210];
	_ =	sdelay $0x4  }
0xa2: {  	v1 =	vshrl.u32 @!p0 v1, $0x1  }
0xa3: {  	[tilespmem:$0x6410] =	vst @!p0 v1  }
0xa4: {  	v1 =	vld @!p0 [tilespmem:s3+$0x220];
	_ =	sdelay $0x4  }
0xa5: {  	v1 =	vshrl.u32 @!p0 v1, $0x1  }
0xa6: {  	[tilespmem:$0x6420] =	vst @!p0 v1  }
0xa7: {  	v1 =	vld @!p0 [tilespmem:s3+$0x230];
	_ =	sdelay $0x4  }
0xa8: {  	v1 =	vshrl.u32 @!p0 v1, $0x1  }
0xa9: {  	[tilespmem:$0x6430] =	vst @!p0 v1  }
0xaa: {  	v1 =	vld @!p0 [tilespmem:s3+$0x240];
	_ =	sdelay $0x4  }
0xab: {  	v1 =	vshrl.u32 @!p0 v1, $0x1  }
0xac: {  	[tilespmem:$0x6440] =	vst @!p0 v1  }
0xad: {  	v1 =	vld @!p0 [tilespmem:s3+$0x250];
	_ =	sdelay $0x4  }
0xae: {  	v1 =	vshrl.u32 @!p0 v1, $0x1  }
0xaf: {  	[tilespmem:$0x6450] =	vst @!p0 v1  }
0xb0: {  	v1 =	vld @!p0 [tilespmem:s3+$0x260];
	_ =	sdelay $0x4  }
0xb1: {  	v1 =	vshrl.u32 @!p0 v1, $0x1  }
0xb2: {  	[tilespmem:$0x6460] =	vst @!p0 v1  }
0xb3: {  	v1 =	vld @!p0 [tilespmem:s3+$0x270];
	_ =	sdelay $0x4  }
0xb4: {  	p1 =	seq.s32 @!p0 s12, $0x0;
	v1 =	vshrl.u32 @!p0 v1, $0x1  }
0xb5: {  	s10 =	simm.s32 @!p0 $0x6600;
	s2 =	simm.s32 @!p0 $0x80;
	s7 =	simm.s32 @!p0 $0x6400;
	[tilespmem:$0x6470] =	vst @!p0 v1  }
0xb6: {  	[tilespmem:s10], [sflag:$0x1] =	stream.indirect.gather @!p0 [hbm4b:s5+s2], $0x80, s7, s2, $0xb8;
	[tilespmem:$0x1E600] =	vst v63  }
0xb7: {  	p1 =	por p0, !p1;
	s7 =	sor.u32 $0x1, s6  }
0xb8: {  	_ =	swait.ge @p1 [sflag:s30], $0x2000;
	s29 =	sshll.u32 s7, $0x7  }
0xb9: {  	s21 =	simm.s32 $0x18800;
	[sflag:s30] =	ssyncset.done @p1 $0x0;
	s2 =	sand.u32 $0x3FFFFF80, s29  }
0xba: {  	s10 =	simm.s32 $0x0;
	[sflag:s30] =	ssyncadd.s32 @p1 $0xFFFFE000;
	v1 =	vmov s2;
	s2 =	simm.s32 $0x0  }
.LBB2_7:
0xbb: {  	_ =	sdelay $0x2  }
0xbc: {  	s19 =	sshll.u32 s2, $0x4  }
0xbd: {  	v2 =	vld.idx.msk [tilespmem:v1+s19+$0x0 ss:$0x1], $0xffff;
	_ =	sdelay $0x3  }
0xbe: {  	v3 =	vmov s19  }
0xbf: {  	v3 =	vshll.u32 v3, $0x7;
	v2 =	vshll.u32 v2, $0x6  }
0xc0: {  	v3 =	vor.u32 v0, v3;
	v2 =	vand.u32 $0x40, v2  }
0xc1: {  	s25 =	simm.s32 $0x7;
	v2 =	vor.u32 v3, v2  }
0xc2: {  	s23 =	simm.s32 $0x1;
	v3 =	vor.u32 s25, v2  }
0xc3: {  	s28 =	simm.s32 $0x2;
	v4 =	vor.u32 s23, v2  }
0xc4: {  	v5 =	vor.u32 s28, v2;
	s23 =	simm.s32 $0x3  }
0xc5: {  	s25 =	simm.s32 $0x4;
	v6 =	vor.u32 s23, v2  }
0xc6: {  	s28 =	simm.s32 $0x5;
	v7 =	vor.u32 s25, v2  }
0xc7: {  	v8 =	vor.u32 s28, v2;
	s25 =	simm.s32 $0xF;
	v9 =	vld.idx.msk [tilespmem:v3+s15+$0x0], $0xffff  }
0xc8: {  	s23 =	simm.s32 $0x6;
	v11 =	vor.u32 s25, v2;
	v10 =	vld.idx.msk [tilespmem:v4+s15+$0x0], $0xffff  }
0xc9: {  	v3 =	vor.u32 s23, v2;
	v5 =	vld.idx.msk [tilespmem:v5+s15+$0x0], $0xffff  }
0xca: {  	s28 =	simm.s32 $0x9;
	v4 =	vor.u32 s10, v2;
	v14 =	vld.idx.msk [tilespmem:v6+s15+$0x0], $0xffff  }
0xcb: {  	v15 =	vor.u32 s28, v2;
	s23 =	simm.s32 $0xA;
	v16 =	vld.idx.msk [tilespmem:v7+s15+$0x0], $0xffff  }
0xcc: {  	s25 =	simm.s32 $0xB;
	v7 =	vor.u32 s23, v2;
	v8 =	vld.idx.msk [tilespmem:v8+s15+$0x0], $0xffff  }
0xcd: {  	s28 =	simm.s32 $0xC;
	v13 =	vor.u32 s25, v2;
	v6 =	vld.idx.msk [tilespmem:v11+s15+$0x0], $0xffff;
	v12 =	vmul.f32 $8.000000000e+00, v9  }
0xce: {  	s25 =	simm.s32 $0xD;
	v3 =	vld.idx.msk [tilespmem:v3+s15+$0x0], $0xffff;
	v10 =	vmul.f32 $8.000000000e+00, v10;
	v9 =	vor.u32 s28, v2  }
0xcf: {  	v4 =	vld.idx.msk [tilespmem:v4+s15+$0x0], $0xffff;
	s28 =	simm.s32 $0xE;
	v17 =	vmul.f32 $8.000000000e+00, v5;
	[tilespmem:s21+$0x180] =	vst v12;
	v12 =	vor.u32 s25, v2  }
0xd0: {  	s29 =	simm.s32 $0x8;
	s19 =	simm.s32 $0x10;
	v5 =	vld.idx.msk [tilespmem:v15+s15+$0x0], $0xffff;
	v11 =	vor.u32 s28, v2;
	v14 =	vmul.f32 $8.000000000e+00, v14;
	[tilespmem:s21+$0xFFFFFE80] =	vst v10  }
0xd1: {  	s23 =	simm.s32 $0x18;
	v7 =	vld.idx.msk [tilespmem:v7+s15+$0x0], $0xffff;
	v15 =	vmul.f32 $8.000000000e+00, v16;
	s25 =	simm.s32 $0x17;
	v10 =	vor.u32 s29, v2;
	[tilespmem:s21+$0xFFFFFF00] =	vst v17;
	s29 =	smov.u32 s21  }
.LBB2_8:
0xd2: {  	p2 =	slt.u32 s23, $0x38;
	s28 =	sadd.s32 $0x1, s19;
	v16 =	vor.u32 s25, v2;
	v17 =	vld.idx.msk [tilespmem:v13+s15+$0x0], $0xffff;
	[tilespmem:s29+$0xFFFFFF80] =	vst v14;
	v13 =	vmul.f32 $8.000000000e+00, v8  }
0xd3: {  	s25 =	sadd.s32 $0x2, s19;
	v14 =	vor.u32 s28, v2;
	v18 =	vld.idx.msk [tilespmem:v9+s15+$0x0], $0xffff;
	[tilespmem:s29+$0x0] =	vst v15;
	v9 =	vmul.f32 $8.000000000e+00, v3  }
0xd4: {  	v15 =	vor.u32 s25, v2;
	s25 =	sadd.s32 $0x3, s19;
	v8 =	vld.idx.msk [tilespmem:v12+s15+$0x0], $0xffff;
	v12 =	vmul.f32 $8.000000000e+00, v4;
	[tilespmem:s29+$0x80] =	vst v13  }
.Ltmp2:
0xd5: {  	v13 =	vor.u32 s25, v2;
	s25 =	sadd.s32 $0x4, s19;
	v3 =	vld.idx.msk [tilespmem:v11+s15+$0x0], $0xffff;
	v11 =	vmul.f32 $8.000000000e+00, v6;
	[tilespmem:s29+$0x100] =	vst v9;
	(pc) =	sbr.rel @p2 .LBB2_8-.Ltmp2, $4  }
0xd6: {  	v9 =	vor.u32 s25, v2;
	s25 =	sadd.s32 $0x5, s19;
	v4 =	vld.idx.msk [tilespmem:v10+s15+$0x0], $0xffff;
	v10 =	vmul.f32 $8.000000000e+00, v5;
	[tilespmem:s29+$0xFFFFFE00] =	vst v12;
	s29 =	sadd.s32 $0x400, s29  }
0xd7: {  	v12 =	vor.u32 s25, v2;
	s25 =	sadd.s32 $0x6, s19;
	v6 =	vld.idx.msk [tilespmem:v16+s15+$0x0], $0xffff;
	v16 =	vmul.f32 $8.000000000e+00, v7;
	[tilespmem:s29+$0x180] =	vst v11  }
0xd8: {  	v11 =	vor.u32 s25, v2;
	v5 =	vld.idx.msk [tilespmem:v14+s15+$0x0], $0xffff;
	[tilespmem:s29+$0xFFFFFE80] =	vst v10;
	v14 =	vmul.f32 $8.000000000e+00, v17  }
0xd9: {  	s25 =	sadd.s32 $0x7, s23;
	v10 =	vor.u32 s19, v2;
	s19 =	smov.u32 s23;
	s23 =	sadd.s32 $0x8, s23;
	v7 =	vld.idx.msk [tilespmem:v15+s15+$0x0], $0xffff;
	[tilespmem:s29+$0xFFFFFF00] =	vst v16;
	v15 =	vmul.f32 $8.000000000e+00, v18  }
0xda: {  	_ =	sdelay $0x2  }
0xdb: {  	[tilespmem:s29+$0xFFFFFF80] =	vst v14;
	v8 =	vmul.f32 $8.000000000e+00, v8  }
0xdc: {  	s23 =	sadd.s32 $0x1, s19;
	v47 =	vor.u32 s25, v2;
	v13 =	vld.idx.msk [tilespmem:v13+s15+$0x0], $0xffff;
	v3 =	vmul.f32 $8.000000000e+00, v3;
	[tilespmem:s29+$0x0] =	vst v15  }
0xdd: {  	s28 =	sadd.s32 $0x2, s19;
	v9 =	vld.idx.msk [tilespmem:v9+s15+$0x0], $0xffff;
	v48 =	vor.u32 s23, v2;
	v4 =	vmul.f32 $8.000000000e+00, v4;
	[tilespmem:s29+$0x80] =	vst v8  }
0xde: {  	s25 =	sadd.s32 $0x3, s19;
	v12 =	vld.idx.msk [tilespmem:v12+s15+$0x0], $0xffff;
	v49 =	vor.u32 s28, v2;
	v6 =	vmul.f32 $8.000000000e+00, v6;
	[tilespmem:s29+$0x100] =	vst v3  }
0xdf: {  	v11 =	vld.idx.msk [tilespmem:v11+s15+$0x0], $0xffff;
	s28 =	sadd.s32 $0x4, s19;
	v3 =	vor.u32 s25, v2;
	s25 =	sadd.s32 $0x400, s29;
	v5 =	vmul.f32 $8.000000000e+00, v5;
	[tilespmem:s29+$0xFFFFFE00] =	vst v4  }
0xe0: {  	v10 =	vld.idx.msk [tilespmem:v10+s15+$0x0], $0xffff;
	v50 =	vor.u32 s28, v2;
	s28 =	sadd.s32 $0x6, s19;
	v7 =	vmul.f32 $8.000000000e+00, v7;
	[tilespmem:s25+$0x180] =	vst v6  }
0xe1: {  	s29 =	sadd.s32 $0x5, s19;
	v54 =	vor.u32 s28, v2;
	v14 =	vld.idx.msk [tilespmem:v47+s15+$0x0], $0xffff;
	[tilespmem:s25+$0xFFFFFE80] =	vst v5;
	v52 =	vmul.f32 $8.000000000e+00, v13  }
0xe2: {  	v51 =	vor.u32 s29, v2;
	v55 =	vmul.f32 $8.000000000e+00, v9;
	v53 =	vld.idx.msk [tilespmem:v48+s15+$0x0], $0xffff;
	[tilespmem:s25+$0xFFFFFF00] =	vst v7  }
0xe3: {  	v2 =	vor.u32 s19, v2;
	v56 =	vmul.f32 $8.000000000e+00, v12;
	v8 =	vld.idx.msk [tilespmem:v49+s15+$0x0], $0xffff;
	[tilespmem:s25+$0xFFFFFF80] =	vst v52  }
0xe4: {  	v57 =	vmul.f32 $8.000000000e+00, v11;
	v3 =	vld.idx.msk [tilespmem:v3+s15+$0x0], $0xffff;
	[tilespmem:s25+$0x0] =	vst v55  }
0xe5: {  	v58 =	vmul.f32 $8.000000000e+00, v10;
	v4 =	vld.idx.msk [tilespmem:v50+s15+$0x0], $0xffff;
	[tilespmem:s25+$0x80] =	vst v56  }
0xe6: {  	[tilespmem:s25+$0x100] =	vst v57;
	v61 =	vld.idx.msk [tilespmem:v54+s15+$0x0], $0xffff;
	v60 =	vmul.f32 $8.000000000e+00, v14  }
0xe7: {  	s29 =	sadd.s32 $0x400, s25;
	[tilespmem:s25+$0xFFFFFE00] =	vst v58;
	v59 =	vld.idx.msk [tilespmem:v51+s15+$0x0], $0xffff;
	v62 =	vmul.f32 $8.000000000e+00, v53  }
0xe8: {  	v2 =	vld.idx.msk [tilespmem:v2+s15+$0x0], $0xffff;
	v8 =	vmul.f32 $8.000000000e+00, v8;
	[tilespmem:s29+$0x180] =	vst v60  }
0xe9: {  	s2 =	sadd.s32 $0x1, s2;
	v3 =	vmul.f32 $8.000000000e+00, v3;
	[tilespmem:s29+$0xFFFFFE80] =	vst v62  }
0xea: {  	p2 =	sne.s32 s2, $0x8;
	v4 =	vmul.f32 $8.000000000e+00, v4;
	[tilespmem:s29+$0xFFFFFF00] =	vst v8  }
.Ltmp3:
0xeb: {  	v63 =	vmul.f32 $8.000000000e+00, v61;
	[tilespmem:s29+$0xFFFFFF80] =	vst v3;
	(pc) =	sbr.rel @p2 .LBB2_7-.Ltmp3, $4  }
0xec: {  	v3 =	vmul.f32 $8.000000000e+00, v59;
	[tilespmem:s29+$0x0] =	vst v4  }
0xed: {  	v2 =	vmul.f32 $8.000000000e+00, v2;
	[tilespmem:s29+$0x100] =	vst v63  }
0xee: {  	[tilespmem:s29+$0x80] =	vst v3  }
0xef: {  	s21 =	sadd.s32 $0x10, s21;
	[tilespmem:s29+$0xFFFFFE00] =	vst v2  }
0xf0: {  	s2 =	sshll.u32 s7, $0x12  }
0xf1: {  	s2 =	sor.u32 s4, s2  }
0xf2: {  	s2 =	sshrl.u32 s2, $0x3  }
0xf3: {  	s28 =	simm.s32 $0x18600;
	s2 =	sadd.s32 s1, s2  }
0xf4: {  	[hbm4b:s2+s8] =	stream.strided.scatter [tilespmem:s28], [sflag:$0x6], $0x2000, s9, s8, $0x38;
	[tilespmem:$0x1E600] =	vst v63  }
0xf5: {  	_ =	swait.ge [sflag:s24], $0x4000  }
0xf6: {  	[sflag:s24] =	ssyncset.done $0x0  }
0xf7: {  	[sflag:s24] =	ssyncadd.s32 $0xFFFFC000  }
0xf8: {  	v1 =	vld @!p0 [tilespmem:s3+$0x280];
	_ =	sdelay $0x4  }
0xf9: {  	v1 =	vshrl.u32 @!p0 v1, $0x1  }
0xfa: {  	[tilespmem:$0x6480] =	vst @!p0 v1  }
0xfb: {  	v1 =	vld @!p0 [tilespmem:s3+$0x290];
	_ =	sdelay $0x4  }
0xfc: {  	v1 =	vshrl.u32 @!p0 v1, $0x1  }
0xfd: {  	[tilespmem:$0x6490] =	vst @!p0 v1  }
0xfe: {  	v1 =	vld @!p0 [tilespmem:s3+$0x2A0];
	_ =	sdelay $0x4  }
0xff: {  	v1 =	vshrl.u32 @!p0 v1, $0x1  }
0x100: {  	[tilespmem:$0x64A0] =	vst @!p0 v1  }
0x101: {  	v1 =	vld @!p0 [tilespmem:s3+$0x2B0];
	_ =	sdelay $0x4  }
0x102: {  	v1 =	vshrl.u32 @!p0 v1, $0x1  }
0x103: {  	[tilespmem:$0x64B0] =	vst @!p0 v1  }
0x104: {  	v1 =	vld @!p0 [tilespmem:s3+$0x2C0];
	_ =	sdelay $0x4  }
0x105: {  	v1 =	vshrl.u32 @!p0 v1, $0x1  }
0x106: {  	[tilespmem:$0x64C0] =	vst @!p0 v1  }
0x107: {  	v1 =	vld @!p0 [tilespmem:s3+$0x2D0];
	_ =	sdelay $0x4  }
0x108: {  	v1 =	vshrl.u32 @!p0 v1, $0x1  }
0x109: {  	[tilespmem:$0x64D0] =	vst @!p0 v1  }
0x10a: {  	v1 =	vld @!p0 [tilespmem:s3+$0x2E0];
	_ =	sdelay $0x4  }
0x10b: {  	v1 =	vshrl.u32 @!p0 v1, $0x1  }
0x10c: {  	[tilespmem:$0x64E0] =	vst @!p0 v1  }
0x10d: {  	v1 =	vld @!p0 [tilespmem:s3+$0x2F0];
	_ =	sdelay $0x4  }
0x10e: {  	s7 =	simm.s32 @!p0 $0x6480;
	v1 =	vshrl.u32 @!p0 v1, $0x1  }
0x10f: {  	s10 =	simm.s32 @!p0 $0xA600;
	s6 =	sor.u32 $0x2, s6;
	s2 =	simm.s32 @!p0 $0x80;
	[tilespmem:$0x64F0] =	vst @!p0 v1  }
0x110: {  	[tilespmem:s10], [sflag:$0x2] =	stream.indirect.gather @!p0 [hbm4b:s5+s2], $0x80, s7, s2, $0xb8;
	[tilespmem:$0x1E600] =	vst v63  }
0x111: {  	s29 =	sshll.u32 s6, $0x7;
	_ =	swait.ge @p1 [sflag:s31], $0x2000  }
0x112: {  	s2 =	sand.u32 $0x3FFFFF80, s29;
	s7 =	simm.s32 $0x0;
	[sflag:s31] =	ssyncset.done @p1 $0x0  }
0x113: {  	s10 =	simm.s32 $0x1A800;
	v1 =	vmov s2;
	s2 =	simm.s32 $0x0;
	[sflag:s31] =	ssyncadd.s32 @p1 $0xFFFFE000  }
.LBB2_11:
0x114: {  	_ =	sdelay $0x2  }
0x115: {  	s19 =	sshll.u32 s2, $0x4  }
0x116: {  	v2 =	vld.idx.msk [tilespmem:v1+s19+$0x0 ss:$0x1], $0xffff;
	_ =	sdelay $0x3  }
0x117: {  	v3 =	vmov s19  }
0x118: {  	v3 =	vshll.u32 v3, $0x7;
	v2 =	vshll.u32 v2, $0x6  }
0x119: {  	v3 =	vor.u32 v0, v3;
	v2 =	vand.u32 $0x40, v2  }
0x11a: {  	s23 =	simm.s32 $0x7;
	v2 =	vor.u32 v3, v2  }
0x11b: {  	s21 =	simm.s32 $0x1;
	v3 =	vor.u32 s23, v2  }
0x11c: {  	s25 =	simm.s32 $0x2;
	v4 =	vor.u32 s21, v2  }
0x11d: {  	s28 =	simm.s32 $0x3;
	v5 =	vor.u32 s25, v2  }
0x11e: {  	s29 =	simm.s32 $0x4;
	v6 =	vor.u32 s28, v2  }
0x11f: {  	v7 =	vor.u32 s29, v2;
	s21 =	simm.s32 $0x5  }
0x120: {  	s25 =	simm.s32 $0xF;
	v8 =	vor.u32 s21, v2;
	v9 =	vld.idx.msk [tilespmem:v3+s17+$0x0], $0xffff  }
0x121: {  	s23 =	simm.s32 $0x6;
	v11 =	vor.u32 s25, v2;
	v10 =	vld.idx.msk [tilespmem:v4+s17+$0x0], $0xffff  }
0x122: {  	v3 =	vor.u32 s23, v2;
	v5 =	vld.idx.msk [tilespmem:v5+s17+$0x0], $0xffff  }
0x123: {  	s28 =	simm.s32 $0x9;
	v4 =	vor.u32 s7, v2;
	v14 =	vld.idx.msk [tilespmem:v6+s17+$0x0], $0xffff  }
0x124: {  	s29 =	simm.s32 $0xA;
	v15 =	vor.u32 s28, v2;
	v16 =	vld.idx.msk [tilespmem:v7+s17+$0x0], $0xffff  }
0x125: {  	s21 =	simm.s32 $0xB;
	v7 =	vor.u32 s29, v2;
	v8 =	vld.idx.msk [tilespmem:v8+s17+$0x0], $0xffff  }
0x126: {  	v13 =	vor.u32 s21, v2;
	s23 =	simm.s32 $0xC;
	v6 =	vld.idx.msk [tilespmem:v11+s17+$0x0], $0xffff;
	v12 =	vmul.f32 $8.000000000e+00, v9  }
0x127: {  	s25 =	simm.s32 $0xD;
	v3 =	vld.idx.msk [tilespmem:v3+s17+$0x0], $0xffff;
	v10 =	vmul.f32 $8.000000000e+00, v10;
	v9 =	vor.u32 s23, v2  }
0x128: {  	s29 =	simm.s32 $0xE;
	v4 =	vld.idx.msk [tilespmem:v4+s17+$0x0], $0xffff;
	v17 =	vmul.f32 $8.000000000e+00, v5;
	[tilespmem:s10+$0x180] =	vst v12;
	v12 =	vor.u32 s25, v2  }
0x129: {  	s19 =	simm.s32 $0x10;
	s28 =	simm.s32 $0x8;
	v11 =	vor.u32 s29, v2;
	v5 =	vld.idx.msk [tilespmem:v15+s17+$0x0], $0xffff;
	v14 =	vmul.f32 $8.000000000e+00, v14;
	[tilespmem:s10+$0xFFFFFE80] =	vst v10  }
0x12a: {  	s21 =	smov.u32 s10;
	s23 =	simm.s32 $0x18;
	v7 =	vld.idx.msk [tilespmem:v7+s17+$0x0], $0xffff;
	v15 =	vmul.f32 $8.000000000e+00, v16;
	s25 =	simm.s32 $0x17;
	v10 =	vor.u32 s28, v2;
	[tilespmem:s10+$0xFFFFFF00] =	vst v17  }
.LBB2_12:
0x12b: {  	p2 =	slt.u32 s23, $0x38;
	s28 =	sadd.s32 $0x1, s19;
	v16 =	vor.u32 s25, v2;
	v17 =	vld.idx.msk [tilespmem:v13+s17+$0x0], $0xffff;
	[tilespmem:s21+$0xFFFFFF80] =	vst v14;
	v13 =	vmul.f32 $8.000000000e+00, v8  }
0x12c: {  	s25 =	sadd.s32 $0x2, s19;
	v14 =	vor.u32 s28, v2;
	v18 =	vld.idx.msk [tilespmem:v9+s17+$0x0], $0xffff;
	[tilespmem:s21+$0x0] =	vst v15;
	v9 =	vmul.f32 $8.000000000e+00, v3  }
0x12d: {  	v15 =	vor.u32 s25, v2;
	s25 =	sadd.s32 $0x3, s19;
	v8 =	vld.idx.msk [tilespmem:v12+s17+$0x0], $0xffff;
	v12 =	vmul.f32 $8.000000000e+00, v4;
	[tilespmem:s21+$0x80] =	vst v13  }
.Ltmp4:
0x12e: {  	v13 =	vor.u32 s25, v2;
	s25 =	sadd.s32 $0x4, s19;
	v3 =	vld.idx.msk [tilespmem:v11+s17+$0x0], $0xffff;
	v11 =	vmul.f32 $8.000000000e+00, v6;
	[tilespmem:s21+$0x100] =	vst v9;
	(pc) =	sbr.rel @p2 .LBB2_12-.Ltmp4, $4  }
0x12f: {  	v9 =	vor.u32 s25, v2;
	s25 =	sadd.s32 $0x5, s19;
	v4 =	vld.idx.msk [tilespmem:v10+s17+$0x0], $0xffff;
	v10 =	vmul.f32 $8.000000000e+00, v5;
	[tilespmem:s21+$0xFFFFFE00] =	vst v12;
	s21 =	sadd.s32 $0x400, s21  }
0x130: {  	v12 =	vor.u32 s25, v2;
	s25 =	sadd.s32 $0x6, s19;
	v6 =	vld.idx.msk [tilespmem:v16+s17+$0x0], $0xffff;
	v16 =	vmul.f32 $8.000000000e+00, v7;
	[tilespmem:s21+$0x180] =	vst v11  }
0x131: {  	v11 =	vor.u32 s25, v2;
	v5 =	vld.idx.msk [tilespmem:v14+s17+$0x0], $0xffff;
	[tilespmem:s21+$0xFFFFFE80] =	vst v10;
	v14 =	vmul.f32 $8.000000000e+00, v17  }
0x132: {  	s25 =	sadd.s32 $0x7, s23;
	v10 =	vor.u32 s19, v2;
	s19 =	smov.u32 s23;
	s23 =	sadd.s32 $0x8, s23;
	v7 =	vld.idx.msk [tilespmem:v15+s17+$0x0], $0xffff;
	[tilespmem:s21+$0xFFFFFF00] =	vst v16;
	v15 =	vmul.f32 $8.000000000e+00, v18  }
0x133: {  	_ =	sdelay $0x2  }
0x134: {  	[tilespmem:s21+$0xFFFFFF80] =	vst v14;
	v8 =	vmul.f32 $8.000000000e+00, v8  }
0x135: {  	s23 =	sadd.s32 $0x1, s19;
	v47 =	vor.u32 s25, v2;
	v13 =	vld.idx.msk [tilespmem:v13+s17+$0x0], $0xffff;
	v3 =	vmul.f32 $8.000000000e+00, v3;
	[tilespmem:s21+$0x0] =	vst v15  }
0x136: {  	s29 =	sadd.s32 $0x2, s19;
	v9 =	vld.idx.msk [tilespmem:v9+s17+$0x0], $0xffff;
	v48 =	vor.u32 s23, v2;
	v4 =	vmul.f32 $8.000000000e+00, v4;
	[tilespmem:s21+$0x80] =	vst v8  }
0x137: {  	v12 =	vld.idx.msk [tilespmem:v12+s17+$0x0], $0xffff;
	s28 =	sadd.s32 $0x4, s19;
	v49 =	vor.u32 s29, v2;
	v6 =	vmul.f32 $8.000000000e+00, v6;
	[tilespmem:s21+$0x100] =	vst v3  }
0x138: {  	s25 =	sadd.s32 $0x3, s19;
	v11 =	vld.idx.msk [tilespmem:v11+s17+$0x0], $0xffff;
	s29 =	sadd.s32 $0x400, s21;
	v50 =	vor.u32 s28, v2;
	v5 =	vmul.f32 $8.000000000e+00, v5;
	[tilespmem:s21+$0xFFFFFE00] =	vst v4  }
0x139: {  	v10 =	vld.idx.msk [tilespmem:v10+s17+$0x0], $0xffff;
	s28 =	sadd.s32 $0x6, s19;
	v3 =	vor.u32 s25, v2;
	v7 =	vmul.f32 $8.000000000e+00, v7;
	[tilespmem:s29+$0x180] =	vst v6  }
0x13a: {  	s25 =	sadd.s32 $0x5, s19;
	v54 =	vor.u32 s28, v2;
	v14 =	vld.idx.msk [tilespmem:v47+s17+$0x0], $0xffff;
	[tilespmem:s29+$0xFFFFFE80] =	vst v5;
	v52 =	vmul.f32 $8.000000000e+00, v13  }
0x13b: {  	v51 =	vor.u32 s25, v2;
	v2 =	vor.u32 s19, v2;
	v55 =	vmul.f32 $8.000000000e+00, v9;
	v53 =	vld.idx.msk [tilespmem:v48+s17+$0x0], $0xffff;
	[tilespmem:s29+$0xFFFFFF00] =	vst v7  }
0x13c: {  	v56 =	vmul.f32 $8.000000000e+00, v12;
	v8 =	vld.idx.msk [tilespmem:v49+s17+$0x0], $0xffff;
	[tilespmem:s29+$0xFFFFFF80] =	vst v52  }
0x13d: {  	v57 =	vmul.f32 $8.000000000e+00, v11;
	v4 =	vld.idx.msk [tilespmem:v50+s17+$0x0], $0xffff;
	[tilespmem:s29+$0x0] =	vst v55  }
0x13e: {  	v58 =	vmul.f32 $8.000000000e+00, v10;
	v3 =	vld.idx.msk [tilespmem:v3+s17+$0x0], $0xffff;
	[tilespmem:s29+$0x80] =	vst v56  }
0x13f: {  	[tilespmem:s29+$0x100] =	vst v57;
	v61 =	vld.idx.msk [tilespmem:v54+s17+$0x0], $0xffff;
	v60 =	vmul.f32 $8.000000000e+00, v14  }
0x140: {  	[tilespmem:s29+$0xFFFFFE00] =	vst v58;
	s29 =	sadd.s32 $0x400, s29;
	v2 =	vld.idx.msk [tilespmem:v2+s17+$0x0], $0xffff;
	v62 =	vmul.f32 $8.000000000e+00, v53  }
0x141: {  	v59 =	vld.idx.msk [tilespmem:v51+s17+$0x0], $0xffff;
	v8 =	vmul.f32 $8.000000000e+00, v8;
	[tilespmem:s29+$0x180] =	vst v60  }
0x142: {  	s2 =	sadd.s32 $0x1, s2;
	v4 =	vmul.f32 $8.000000000e+00, v4;
	[tilespmem:s29+$0xFFFFFE80] =	vst v62  }
0x143: {  	p2 =	sne.s32 s2, $0x8;
	v3 =	vmul.f32 $8.000000000e+00, v3;
	[tilespmem:s29+$0xFFFFFF00] =	vst v8  }
.Ltmp5:
0x144: {  	v63 =	vmul.f32 $8.000000000e+00, v61;
	[tilespmem:s29+$0x0] =	vst v4;
	(pc) =	sbr.rel @p2 .LBB2_11-.Ltmp5, $4  }
0x145: {  	v2 =	vmul.f32 $8.000000000e+00, v2;
	[tilespmem:s29+$0xFFFFFF80] =	vst v3  }
0x146: {  	v3 =	vmul.f32 $8.000000000e+00, v59;
	[tilespmem:s29+$0x100] =	vst v63  }
0x147: {  	[tilespmem:s29+$0xFFFFFE00] =	vst v2  }
0x148: {  	s10 =	sadd.s32 $0x10, s10;
	[tilespmem:s29+$0x80] =	vst v3  }
0x149: {  	s2 =	sshll.u32 s6, $0x12  }
0x14a: {  	s2 =	sor.u32 s4, s2  }
0x14b: {  	s2 =	sshrl.u32 s2, $0x3  }
0x14c: {  	s29 =	simm.s32 $0x1A600;
	s2 =	sadd.s32 s1, s2  }
0x14d: {  	[hbm4b:s2+s8] =	stream.strided.scatter [tilespmem:s29], [sflag:$0x7], $0x2000, s9, s8, $0x38;
	[tilespmem:$0x1E600] =	vst v63  }
0x14e: {  	_ =	swait.ge [sflag:s26], $0x4000  }
0x14f: {  	[sflag:s26] =	ssyncset.done $0x0  }
0x150: {  	[sflag:s26] =	ssyncadd.s32 $0xFFFFC000  }
0x151: {  	v1 =	vld @!p0 [tilespmem:s3+$0x300];
	_ =	sdelay $0x4  }
0x152: {  	v1 =	vshrl.u32 @!p0 v1, $0x1  }
0x153: {  	[tilespmem:$0x6500] =	vst @!p0 v1  }
0x154: {  	v1 =	vld @!p0 [tilespmem:s3+$0x310];
	_ =	sdelay $0x4  }
0x155: {  	v1 =	vshrl.u32 @!p0 v1, $0x1  }
0x156: {  	[tilespmem:$0x6510] =	vst @!p0 v1  }
0x157: {  	v1 =	vld @!p0 [tilespmem:s3+$0x320];
	_ =	sdelay $0x4  }
0x158: {  	v1 =	vshrl.u32 @!p0 v1, $0x1  }
0x159: {  	[tilespmem:$0x6520] =	vst @!p0 v1  }
0x15a: {  	v1 =	vld @!p0 [tilespmem:s3+$0x330];
	_ =	sdelay $0x4  }
0x15b: {  	v1 =	vshrl.u32 @!p0 v1, $0x1  }
0x15c: {  	[tilespmem:$0x6530] =	vst @!p0 v1  }
0x15d: {  	v1 =	vld @!p0 [tilespmem:s3+$0x340];
	_ =	sdelay $0x4  }
0x15e: {  	v1 =	vshrl.u32 @!p0 v1, $0x1  }
0x15f: {  	[tilespmem:$0x6540] =	vst @!p0 v1  }
0x160: {  	v1 =	vld @!p0 [tilespmem:s3+$0x350];
	_ =	sdelay $0x4  }
0x161: {  	v1 =	vshrl.u32 @!p0 v1, $0x1  }
0x162: {  	[tilespmem:$0x6550] =	vst @!p0 v1  }
0x163: {  	v1 =	vld @!p0 [tilespmem:s3+$0x360];
	_ =	sdelay $0x4  }
0x164: {  	v1 =	vshrl.u32 @!p0 v1, $0x1  }
0x165: {  	[tilespmem:$0x6560] =	vst @!p0 v1  }
0x166: {  	v1 =	vld @!p0 [tilespmem:s3+$0x370];
	_ =	sdelay $0x4  }
0x167: {  	v1 =	vshrl.u32 @!p0 v1, $0x1  }
0x168: {  	s6 =	simm.s32 @!p0 $0xE600;
	s2 =	simm.s32 @!p0 $0x80;
	s3 =	simm.s32 @!p0 $0x6500;
	[tilespmem:$0x6570] =	vst @!p0 v1  }
0x169: {  	[tilespmem:s6], [sflag:$0x3] =	stream.indirect.gather @!p0 [hbm4b:s5+s2], $0x80, s3, s2, $0xb8;
	[tilespmem:$0x1E600] =	vst v63  }
0x16a: {  	_ =	swait.ge @p1 [sflag:s0], $0x2000  }
0x16b: {  	s3 =	simm.s32 $0x0;
	[sflag:s0] =	ssyncset.done @p1 $0x0  }
0x16c: {  	v1 =	vmov s16;
	s6 =	simm.s32 $0x1C800;
	s2 =	simm.s32 $0x0;
	[sflag:s0] =	ssyncadd.s32 @p1 $0xFFFFE000  }
.LBB2_15:
0x16d: {  	_ =	sdelay $0x2  }
0x16e: {  	s7 =	sshll.u32 s2, $0x4  }
0x16f: {  	v2 =	vld.idx.msk [tilespmem:v1+s7+$0x0 ss:$0x1], $0xffff;
	_ =	sdelay $0x3  }
0x170: {  	v3 =	vmov s7  }
0x171: {  	v3 =	vshll.u32 v3, $0x7;
	v2 =	vshll.u32 v2, $0x6  }
0x172: {  	v3 =	vor.u32 v0, v3;
	v2 =	vand.u32 $0x40, v2  }
0x173: {  	s21 =	simm.s32 $0x7;
	v2 =	vor.u32 v3, v2  }
0x174: {  	s10 =	simm.s32 $0x1;
	v3 =	vor.u32 s21, v2  }
0x175: {  	s23 =	simm.s32 $0x2;
	v4 =	vor.u32 s10, v2  }
0x176: {  	s25 =	simm.s32 $0x3;
	v5 =	vor.u32 s23, v2  }
0x177: {  	s28 =	simm.s32 $0x4;
	v6 =	vor.u32 s25, v2  }
0x178: {  	s29 =	simm.s32 $0x5;
	v7 =	vor.u32 s28, v2  }
0x179: {  	s16 =	simm.s32 $0xF;
	v8 =	vor.u32 s29, v2;
	v9 =	vld.idx.msk [tilespmem:v3+s20+$0x0], $0xffff  }
0x17a: {  	s10 =	simm.s32 $0x6;
	v11 =	vor.u32 s16, v2;
	v10 =	vld.idx.msk [tilespmem:v4+s20+$0x0], $0xffff  }
0x17b: {  	v3 =	vor.u32 s10, v2;
	v5 =	vld.idx.msk [tilespmem:v5+s20+$0x0], $0xffff  }
0x17c: {  	s19 =	simm.s32 $0x9;
	v4 =	vor.u32 s3, v2;
	v14 =	vld.idx.msk [tilespmem:v6+s20+$0x0], $0xffff  }
0x17d: {  	v15 =	vor.u32 s19, v2;
	s21 =	simm.s32 $0xA;
	v16 =	vld.idx.msk [tilespmem:v7+s20+$0x0], $0xffff  }
0x17e: {  	s23 =	simm.s32 $0xB;
	v7 =	vor.u32 s21, v2;
	v8 =	vld.idx.msk [tilespmem:v8+s20+$0x0], $0xffff  }
0x17f: {  	s25 =	simm.s32 $0xC;
	v13 =	vor.u32 s23, v2;
	v6 =	vld.idx.msk [tilespmem:v11+s20+$0x0], $0xffff;
	v12 =	vmul.f32 $8.000000000e+00, v9  }
0x180: {  	s28 =	simm.s32 $0xD;
	v3 =	vld.idx.msk [tilespmem:v3+s20+$0x0], $0xffff;
	v10 =	vmul.f32 $8.000000000e+00, v10;
	v9 =	vor.u32 s25, v2  }
0x181: {  	s29 =	simm.s32 $0xE;
	v4 =	vld.idx.msk [tilespmem:v4+s20+$0x0], $0xffff;
	v17 =	vmul.f32 $8.000000000e+00, v5;
	[tilespmem:s6+$0x180] =	vst v12;
	v12 =	vor.u32 s28, v2  }
0x182: {  	s7 =	simm.s32 $0x10;
	s21 =	simm.s32 $0x8;
	v11 =	vor.u32 s29, v2;
	v5 =	vld.idx.msk [tilespmem:v15+s20+$0x0], $0xffff;
	v14 =	vmul.f32 $8.000000000e+00, v14;
	[tilespmem:s6+$0xFFFFFE80] =	vst v10  }
0x183: {  	s19 =	simm.s32 $0x17;
	s16 =	simm.s32 $0x18;
	s10 =	smov.u32 s6;
	v7 =	vld.idx.msk [tilespmem:v7+s20+$0x0], $0xffff;
	v15 =	vmul.f32 $8.000000000e+00, v16;
	v10 =	vor.u32 s21, v2;
	[tilespmem:s6+$0xFFFFFF00] =	vst v17  }
.LBB2_16:
0x184: {  	p0 =	slt.u32 s16, $0x38;
	s21 =	sadd.s32 $0x1, s7;
	v16 =	vor.u32 s19, v2;
	v17 =	vld.idx.msk [tilespmem:v13+s20+$0x0], $0xffff;
	[tilespmem:s10+$0xFFFFFF80] =	vst v14;
	v13 =	vmul.f32 $8.000000000e+00, v8  }
0x185: {  	s19 =	sadd.s32 $0x2, s7;
	v14 =	vor.u32 s21, v2;
	v18 =	vld.idx.msk [tilespmem:v9+s20+$0x0], $0xffff;
	[tilespmem:s10+$0x0] =	vst v15;
	v9 =	vmul.f32 $8.000000000e+00, v3  }
0x186: {  	v15 =	vor.u32 s19, v2;
	s19 =	sadd.s32 $0x3, s7;
	v8 =	vld.idx.msk [tilespmem:v12+s20+$0x0], $0xffff;
	v12 =	vmul.f32 $8.000000000e+00, v4;
	[tilespmem:s10+$0x80] =	vst v13  }
.Ltmp6:
0x187: {  	v13 =	vor.u32 s19, v2;
	s19 =	sadd.s32 $0x4, s7;
	v3 =	vld.idx.msk [tilespmem:v11+s20+$0x0], $0xffff;
	v11 =	vmul.f32 $8.000000000e+00, v6;
	[tilespmem:s10+$0x100] =	vst v9;
	(pc) =	sbr.rel @p0 .LBB2_16-.Ltmp6, $4  }
0x188: {  	v9 =	vor.u32 s19, v2;
	s19 =	sadd.s32 $0x5, s7;
	v4 =	vld.idx.msk [tilespmem:v10+s20+$0x0], $0xffff;
	v10 =	vmul.f32 $8.000000000e+00, v5;
	[tilespmem:s10+$0xFFFFFE00] =	vst v12;
	s10 =	sadd.s32 $0x400, s10  }
0x189: {  	v12 =	vor.u32 s19, v2;
	s19 =	sadd.s32 $0x6, s7;
	v6 =	vld.idx.msk [tilespmem:v16+s20+$0x0], $0xffff;
	v16 =	vmul.f32 $8.000000000e+00, v7;
	[tilespmem:s10+$0x180] =	vst v11  }
0x18a: {  	v11 =	vor.u32 s19, v2;
	v5 =	vld.idx.msk [tilespmem:v14+s20+$0x0], $0xffff;
	[tilespmem:s10+$0xFFFFFE80] =	vst v10;
	v14 =	vmul.f32 $8.000000000e+00, v17  }
0x18b: {  	s19 =	sadd.s32 $0x7, s16;
	v10 =	vor.u32 s7, v2;
	s7 =	smov.u32 s16;
	s16 =	sadd.s32 $0x8, s16;
	v7 =	vld.idx.msk [tilespmem:v15+s20+$0x0], $0xffff;
	[tilespmem:s10+$0xFFFFFF00] =	vst v16;
	v15 =	vmul.f32 $8.000000000e+00, v18  }
0x18c: {  	_ =	sdelay $0x2  }
0x18d: {  	[tilespmem:s10+$0xFFFFFF80] =	vst v14;
	v8 =	vmul.f32 $8.000000000e+00, v8  }
0x18e: {  	s16 =	sadd.s32 $0x1, s7;
	v47 =	vor.u32 s19, v2;
	v13 =	vld.idx.msk [tilespmem:v13+s20+$0x0], $0xffff;
	v3 =	vmul.f32 $8.000000000e+00, v3;
	[tilespmem:s10+$0x0] =	vst v15  }
0x18f: {  	s29 =	sadd.s32 $0x2, s7;
	v9 =	vld.idx.msk [tilespmem:v9+s20+$0x0], $0xffff;
	v48 =	vor.u32 s16, v2;
	v4 =	vmul.f32 $8.000000000e+00, v4;
	[tilespmem:s10+$0x80] =	vst v8  }
0x190: {  	v12 =	vld.idx.msk [tilespmem:v12+s20+$0x0], $0xffff;
	s21 =	sadd.s32 $0x4, s7;
	v49 =	vor.u32 s29, v2;
	v6 =	vmul.f32 $8.000000000e+00, v6;
	[tilespmem:s10+$0x100] =	vst v3  }
0x191: {  	v11 =	vld.idx.msk [tilespmem:v11+s20+$0x0], $0xffff;
	s23 =	sadd.s32 $0x400, s10;
	s28 =	sadd.s32 $0x6, s7;
	v50 =	vor.u32 s21, v2;
	v5 =	vmul.f32 $8.000000000e+00, v5;
	[tilespmem:s10+$0xFFFFFE00] =	vst v4  }
0x192: {  	s19 =	sadd.s32 $0x3, s7;
	v10 =	vld.idx.msk [tilespmem:v10+s20+$0x0], $0xffff;
	v54 =	vor.u32 s28, v2;
	v7 =	vmul.f32 $8.000000000e+00, v7;
	[tilespmem:s23+$0x180] =	vst v6  }
0x193: {  	s25 =	sadd.s32 $0x5, s7;
	v3 =	vor.u32 s19, v2;
	v14 =	vld.idx.msk [tilespmem:v47+s20+$0x0], $0xffff;
	[tilespmem:s23+$0xFFFFFE80] =	vst v5;
	v52 =	vmul.f32 $8.000000000e+00, v13  }
0x194: {  	v51 =	vor.u32 s25, v2;
	v2 =	vor.u32 s7, v2;
	v55 =	vmul.f32 $8.000000000e+00, v9;
	v53 =	vld.idx.msk [tilespmem:v48+s20+$0x0], $0xffff;
	[tilespmem:s23+$0xFFFFFF00] =	vst v7  }
0x195: {  	v56 =	vmul.f32 $8.000000000e+00, v12;
	v8 =	vld.idx.msk [tilespmem:v49+s20+$0x0], $0xffff;
	[tilespmem:s23+$0xFFFFFF80] =	vst v52  }
0x196: {  	v57 =	vmul.f32 $8.000000000e+00, v11;
	v4 =	vld.idx.msk [tilespmem:v50+s20+$0x0], $0xffff;
	[tilespmem:s23+$0x0] =	vst v55  }
0x197: {  	v58 =	vmul.f32 $8.000000000e+00, v10;
	v61 =	vld.idx.msk [tilespmem:v54+s20+$0x0], $0xffff;
	[tilespmem:s23+$0x80] =	vst v56  }
0x198: {  	v3 =	vld.idx.msk [tilespmem:v3+s20+$0x0], $0xffff;
	[tilespmem:s23+$0x100] =	vst v57;
	v60 =	vmul.f32 $8.000000000e+00, v14  }
0x199: {  	s29 =	sadd.s32 $0x400, s23;
	[tilespmem:s23+$0xFFFFFE00] =	vst v58;
	v2 =	vld.idx.msk [tilespmem:v2+s20+$0x0], $0xffff;
	v62 =	vmul.f32 $8.000000000e+00, v53  }
0x19a: {  	v59 =	vld.idx.msk [tilespmem:v51+s20+$0x0], $0xffff;
	v8 =	vmul.f32 $8.000000000e+00, v8;
	[tilespmem:s29+$0x180] =	vst v60  }
0x19b: {  	s2 =	sadd.s32 $0x1, s2;
	v4 =	vmul.f32 $8.000000000e+00, v4;
	[tilespmem:s29+$0xFFFFFE80] =	vst v62  }
0x19c: {  	p0 =	sne.s32 s2, $0x8;
	v63 =	vmul.f32 $8.000000000e+00, v61;
	[tilespmem:s29+$0xFFFFFF00] =	vst v8  }
.Ltmp7:
0x19d: {  	v3 =	vmul.f32 $8.000000000e+00, v3;
	[tilespmem:s29+$0x0] =	vst v4;
	(pc) =	sbr.rel @p0 .LBB2_15-.Ltmp7, $4  }
0x19e: {  	v2 =	vmul.f32 $8.000000000e+00, v2;
	[tilespmem:s29+$0x100] =	vst v63  }
0x19f: {  	[tilespmem:s29+$0xFFFFFF80] =	vst v3;
	v3 =	vmul.f32 $8.000000000e+00, v59  }
0x1a0: {  	[tilespmem:s29+$0xFFFFFE00] =	vst v2  }
0x1a1: {  	s6 =	sadd.s32 $0x10, s6;
	[tilespmem:s29+$0x80] =	vst v3  }
0x1a2: {  	s12 =	sadd.s32 $0x1, s12  }
0x1a3: {  	p0 =	sne.s32 s12, $0x32  }
.Ltmp8:
0x1a4: {  	s2 =	sshll.u32 s14, $0x12;
	(pc) =	sbr.rel @p0 .LBB2_2-.Ltmp8, $4  }
0x1a5: {  	s2 =	sor.u32 s4, s2  }
0x1a6: {  	s2 =	sshrl.u32 s2, $0x3  }
0x1a7: {  	s3 =	simm.s32 $0x1C600;
	s2 =	sadd.s32 s1, s2  }
0x1a8: {  	[hbm4b:s2+s8] =	stream.strided.scatter [tilespmem:s3], [sflag:$0x8], $0x2000, s9, s8, $0x38;
	[tilespmem:$0x1E600] =	vst v63  }
0x1a9: {  	s2 =	simm.s32 $0x5  }
0x1aa: {  	_ =	swait.ge [sflag:s2], $0x2000  }
0x1ab: {  	[sflag:s2] =	ssyncset.done $0x0  }
0x1ac: {  	[sflag:s2] =	ssyncadd.s32 $0xFFFFE000  }
0x1ad: {  	_ =	swait.ge [sflag:s30], $0x2000  }
0x1ae: {  	[sflag:s30] =	ssyncset.done $0x0  }
0x1af: {  	[sflag:s30] =	ssyncadd.s32 $0xFFFFE000  }
0x1b0: {  	_ =	swait.ge [sflag:s31], $0x2000  }
0x1b1: {  	[sflag:s31] =	ssyncset.done $0x0  }
0x1b2: {  	[sflag:s31] =	ssyncadd.s32 $0xFFFFE000  }
0x1b3: {  	_ =	swait.ge [sflag:s0], $0x2000  }
0x1b4: {  	s3 =	rddreg [dreg:$0x6]  }
0x1b5: {  	s29 =	rddreg [dreg:$0x5];
	s3 =	sadd.s32 $0x1, s3  }
0x1b6: {  	p0 =	sne.s32 s3, s29  }
.Ltmp9:
0x1b7: {  	_ = 	snop;
	(pc) =	sbr.rel @p0 .LBB2_1-.Ltmp9, $3  }
0x1b8: {  	_ =	sdelay $0x1  }
0x1b9: {  	[sflag:s0] =	ssyncset.done $0x0  }
0x1ba: {  	[sflag:s0] =	ssyncadd.s32 $0xFFFFE000  }
0x1bb: {  	_ =	sfence.sel $0x180000  }
0x1bc: {  	[bflag:$0x0] =	sbarrier.arrive $0xFFFF  }
0x1bd: {  	_ =	strace $0x90000047  }
0x1be: {  	s0 =	stileid.u32;
	[bflag:$0x2] =	sbarrier.arrive $0xFFFF  }
0x1bf: {  	p0 =	sne.s32 s0, $0x0;
	s0 =	rddreg [dreg:$0x3]  }
0x1c0: {  	s0 =	sadd.s32 @!p0 $0x100000, s0  }
0x1c1: {  	[sflag:s0] =	ssyncadd.tile.s32 @!p0 $0x1;
	_ =	shalt  }
.Lfunc_end2:
_tile_overlayer_lowered:
.L_overlay_start_2:
0x1c2: {  	(tag) =	ssettag $0x2  }
0x1c3: {  	s0 =	rddreg [dreg:$0x0];
	s2 =	stileid.u32  }
0x1c4: {  	s1 =	rddreg [dreg:$0x1];
	p0 =	sne.s32 s2, $0x0  }
0x1c5: {  	s3 =	rddreg [dreg:$0x2];
	[bflag:$0x3] =	sbarrier.arrive $0xFFFF;
	s2 =	simm.s32 @!p0 $0x1C09  }
0x1c6: {  	[timem:s3], [sflag:s2] =	dma.local @!p0 [hbm:s0], s1  }
0x1c7: {  	s0 =	simm.s32 @!p0 $0x9  }
0x1c8: {  	_ =	swait.ge @!p0 [sflag:s0], s1  }
0x1c9: {  	s1 =	ssub.s32 @!p0 $0x0, s1;
	[sflag:s0] =	ssyncset.done @!p0 $0x0  }
0x1ca: {  	[sflag:s0] =	ssyncadd.s32 @!p0 s1  }
0x1cb: {  	[bflag:$0x3] =	sbarrier.arrive $0xFFFF  }
0x1cc: {  	_ =	shalt  }

</sc_bundles>
